<compile_context>
chip_gen: v7x
topology: tpu7x:2x2x1
jax: 0.10.2.dev20260603
libtpu: 0.0.44.dev20260713+nightly
codegen_flags: <defaults>
</compile_context>

<pallas_src>
import functools

import jax
import jax.numpy as jnp
from jax import lax
from jax.experimental import pallas as pl
from jax.experimental.pallas import tpu as pltpu
from jax.experimental.pallas import tpu_sc as plsc

_DIM = 128
_BB_DIM = 64
_B, _L = 4096, 200
_N = _B * _L
_NC, _NS = 2, 16
_NW = _NC * _NS
_CHUNK = 128
_NSTG = _N // 2
_PER_W_STG = _NSTG // _NW
_NCHS = _PER_W_STG // _CHUNK
_NBUF_SC = 4
_RPB = 32
_NB = _B // _RPB
_SENT = 120


def _sc_gather(idx_left, idx_right, table):
  mesh = plsc.VectorSubcoreMesh(
      core_axis_name="c", subcore_axis_name="s",
      num_cores=_NC, num_subcores=_NS)

  @functools.partial(
      pl.kernel,
      out_type=jax.ShapeDtypeStruct((_NSTG, _DIM), jnp.float32),
      mesh=mesh,
      compiler_params=pltpu.CompilerParams(use_tc_tiling_on_sc=False),
      scratch_types=(
          [pltpu.VMEM((_NCHS, _CHUNK), jnp.int32),
           pltpu.VMEM((_NCHS, _CHUNK), jnp.int32),
           pltpu.VMEM((_NBUF_SC, _CHUNK, _BB_DIM), jnp.float32),
           pltpu.VMEM((_NBUF_SC, _CHUNK, _BB_DIM), jnp.float32)]
          + [pltpu.SemaphoreType.DMA] * _NBUF_SC
      ),
  )
  def gather_kernel(idxl_hbm, idxr_hbm, table_hbm, out_hbm,
                    idxl_v, idxr_v, bufl, bufr, *gsems):
    wid = lax.axis_index("s") * _NC + lax.axis_index("c")
    pltpu.sync_copy(idxl_hbm.at[pl.ds(wid * _NCHS, _NCHS)], idxl_v)
    pltpu.sync_copy(idxr_hbm.at[pl.ds(wid * _NCHS, _NCHS)], idxr_v)

    def start_gather(c, b):
      pltpu.make_async_copy(
          table_hbm.at[idxl_v.at[c]], bufl.at[b], gsems[b]).start()
      pltpu.make_async_copy(
          table_hbm.at[idxr_v.at[c]], bufr.at[b], gsems[b]).start()

    def wait_gather(c, b):
      pltpu.make_async_copy(
          table_hbm.at[idxl_v.at[c]], bufl.at[b], gsems[b]).wait()
      pltpu.make_async_copy(
          table_hbm.at[idxr_v.at[c]], bufr.at[b], gsems[b]).wait()

    stg0 = wid * _PER_W_STG
    for b in range(_NBUF_SC):
      start_gather(b, b)

    def body(it, carry):
      c0 = it * _NBUF_SC
      for b in range(_NBUF_SC):
        c = c0 + b
        wait_gather(c, b)
        j0 = stg0 + c * _CHUNK
        pltpu.sync_copy(
            bufl.at[b], out_hbm.at[pl.ds(j0, _CHUNK), pl.ds(0, _BB_DIM)])
        pltpu.sync_copy(
            bufr.at[b],
            out_hbm.at[pl.ds(j0, _CHUNK), pl.ds(_BB_DIM, _BB_DIM)])

        @pl.when(c + _NBUF_SC < _NCHS)
        def _():
          start_gather(c + _NBUF_SC, b)
      return carry

    lax.fori_loop(0, _NCHS // _NBUF_SC, body, 0)

  return gather_kernel(idx_left, idx_right, table)


def _tc_body(cid_ref, stg_ref, comb_ref, wl_ref, wr_ref, pe_ref,
             iota_ref, rones_ref, h_ref, m_ref):
  cid_nat = cid_ref[...]
  m_ref[...] = jnp.where(cid_nat != 0, 0.0, -jnp.inf).astype(jnp.float32)

  cidT = jnp.transpose(cid_nat.astype(jnp.float32))
  bcast = jnp.dot(cidT, rones_ref[...],
                  preferred_element_type=jnp.float32)
  iota = iota_ref[...]

  stg = stg_ref[...]
  projl = jnp.dot(stg, wl_ref[...], preferred_element_type=jnp.float32)
  projr = jnp.dot(stg, wr_ref[...], preferred_element_type=jnp.float32)
  hb = _RPB // 2

  pe = pe_ref[...]
  comb = comb_ref[...]
  sent = jnp.float32(_SENT)
  for l in range(_RPB):
    onehot = (bcast[:, l * _DIM:(l + 1) * _DIM] == iota).astype(jnp.float32)
    base = jnp.dot(onehot, comb,
                   preferred_element_type=jnp.float32)
    proj = (projl[l * _L:(l + 1) * _L, :] if l < hb
            else projr[(l - hb) * _L:(l - hb + 1) * _L, :])
    is_bb = bcast[:, l * _DIM:(l + 1) * _DIM] == sent
    h_ref[l] = base + pe + jnp.where(is_bb, proj, 0.0)


def _pe_table(L, d):
  pos = jnp.arange(L, dtype=jnp.float32)[:, None]
  i = jnp.arange(0, d, 2, dtype=jnp.float32)[None, :]
  angle = pos / jnp.power(10000.0, i / d)
  pe = jnp.zeros((L, d), dtype=jnp.float32)
  pe = pe.at[:, 0::2].set(jnp.sin(angle))
  pe = pe.at[:, 1::2].set(jnp.cos(angle))
  return pe


def kernel(token_types, bb_indices, rxn_indices, token_table, bb_table,
           bb_W, bb_b, rxn_table):
  tt32 = token_types.astype(jnp.int32)
  rx32 = rxn_indices.astype(jnp.int32)
  cidx = jnp.where(tt32 == 2, rx32 + 8,
                   jnp.where(tt32 == 1, jnp.int32(_SENT), tt32))

  mi = bb_indices.astype(jnp.int32).reshape(_NB, 2, (_RPB // 2) * _L)
  idx_left = mi[:, 0].reshape(_NW * _NCHS, _CHUNK)
  idx_right = mi[:, 1].reshape(_NW * _NCHS, _CHUNK)

  staging = _sc_gather(idx_left, idx_right, bb_table)

  comb = jnp.zeros((_DIM, _DIM), jnp.float32)
  comb = comb.at[:8].set(token_table)
  comb = comb.at[8:109].set(rxn_table)
  comb = comb.at[_SENT].set(bb_b)

  wl = jnp.concatenate([bb_W, jnp.zeros((_BB_DIM, _DIM), jnp.float32)], 0)
  wr = jnp.concatenate([jnp.zeros((_BB_DIM, _DIM), jnp.float32), bb_W], 0)
  pe = _pe_table(_L, _DIM)
  iota_k = jnp.broadcast_to(
      jnp.arange(_DIM, dtype=jnp.float32)[None, :], (_L, _DIM))
  rones = jnp.repeat(jnp.eye(_RPB, dtype=jnp.float32), _DIM, axis=1)

  h, m = pl.pallas_call(
      _tc_body,
      grid=(_NB,),
      in_specs=[
          pl.BlockSpec((_RPB, _L), lambda i: (i, 0)),
          pl.BlockSpec(((_RPB // 2) * _L, _DIM), lambda i: (i, 0)),
          pl.BlockSpec((_DIM, _DIM), lambda i: (0, 0)),
          pl.BlockSpec((_DIM, _DIM), lambda i: (0, 0)),
          pl.BlockSpec((_DIM, _DIM), lambda i: (0, 0)),
          pl.BlockSpec((_L, _DIM), lambda i: (0, 0)),
          pl.BlockSpec((_L, _DIM), lambda i: (0, 0)),
          pl.BlockSpec((_RPB, _RPB * _DIM), lambda i: (0, 0)),
      ],
      out_specs=[
          pl.BlockSpec((_RPB, _L, _DIM), lambda i: (i, 0, 0)),
          pl.BlockSpec((_RPB, _L), lambda i: (i, 0)),
      ],
      out_shape=[
          jax.ShapeDtypeStruct((_B, _L, _DIM), jnp.float32),
          jax.ShapeDtypeStruct((_B, _L), jnp.float32),
      ],
  )(cidx, staging, comb, wl, wr, pe, iota_k, rones)
  return h, m

# --- scband reference (transcript-rebuilt; emitter-appended) ---
"""Pipeline reference for scband-synthesis-embedder-69037304316050 (READ-ONLY COPY).

The authoritative reference and input builder live on the scoring server;
editing this copy changes nothing except your own understanding.
"""

import jax, jax.numpy as jnp
import numpy as np

DIM = 128
NUM_TOKEN_TYPES = 8
MAX_BB_INDEX = 1000000
MAX_RXN_INDEX = 100
BB_EMBED_DIM = 64
PAD_TOKEN = 0
BB_TOKEN = 1
RXN_TOKEN = 2
B, L = 4096, 200


def sinusoidal_pe(L, d, dtype=jnp.float32):
    pos = jnp.arange(L, dtype=jnp.float32)[:, None]
    i = jnp.arange(0, d, 2, dtype=jnp.float32)[None, :]
    angle = pos / jnp.power(10000.0, i / d)
    pe = jnp.zeros((L, d), dtype=jnp.float32)
    pe = pe.at[:, 0::2].set(jnp.sin(angle))
    pe = pe.at[:, 1::2].set(jnp.cos(angle))
    return pe.astype(dtype)


def setup_inputs(seed: int = 0) -> dict:
    key = jax.random.key(seed)
    k1, k2, k3, k4, k5, k6, k7, k8 = jax.random.split(key, 8)
    token_types = jax.random.randint(k1, (B, L), 0, NUM_TOKEN_TYPES, dtype=jnp.int64)
    bb_indices = jax.random.randint(k2, (B, L), 0, MAX_BB_INDEX + 1, dtype=jnp.int64)
    rxn_indices = jax.random.randint(k3, (B, L), 0, MAX_RXN_INDEX + 1, dtype=jnp.int64)
    token_table = jax.random.normal(k4, (NUM_TOKEN_TYPES, DIM), dtype=jnp.float32)
    # padding_idx=pad_token -> row is zero
    token_table = token_table.at[PAD_TOKEN].set(0.0)
    bb_table = jax.random.normal(k5, (MAX_BB_INDEX + 1, BB_EMBED_DIM), dtype=jnp.float32)
    bb_W = jax.random.normal(k6, (BB_EMBED_DIM, DIM), dtype=jnp.float32) * (1.0 / np.sqrt(BB_EMBED_DIM))
    bb_b = jax.random.normal(k7, (DIM,), dtype=jnp.float32) * 0.01
    rxn_table = jax.random.normal(k8, (MAX_RXN_INDEX + 1, DIM), dtype=jnp.float32)
    return {
        "token_types": token_types,
        "bb_indices": bb_indices,
        "rxn_indices": rxn_indices,
        "token_table": token_table,
        "bb_table": bb_table,
        "bb_W": bb_W,
        "bb_b": bb_b,
        "rxn_table": rxn_table,
    }


def reference(token_types, bb_indices, rxn_indices, token_table, bb_table, bb_W, bb_b, rxn_table):
    # token embedding lookup (gather)
    token_emb = jnp.take(token_table, token_types, axis=0)
    # bb embedding: gather then linear projection bb_embed_dim -> dim
    bb_emb = jnp.take(bb_table, bb_indices, axis=0) @ bb_W + bb_b
    # rxn embedding lookup
    rxn_emb = jnp.take(rxn_table, rxn_indices, axis=0)
    is_bb = (token_types == BB_TOKEN)[..., None]
    is_rxn = (token_types == RXN_TOKEN)[..., None]
    h = jnp.where(is_bb, bb_emb, jnp.where(is_rxn, rxn_emb, token_emb))
    # positional encoding (sinusoidal, added)
    h = h + sinusoidal_pe(h.shape[1], h.shape[2], h.dtype)[None, :, :]
    # padding mask: -inf where pad, 0 otherwise
    m = jnp.where(token_types != PAD_TOKEN, jnp.zeros((), dtype=h.dtype), jnp.full((), -jnp.inf, dtype=h.dtype))
    return h, m

if __name__ == "__main__":
    import jax
    _d = setup_inputs()
    print(jax.jit(kernel)(*tuple(_d.values())))

</pallas_src>

<mosaic_0001>
#map = affine_map<(d0, d1) -> (0, 0)>
module attributes {stable_mosaic.version = 14 : i64} {
  func.func @gather_kernel(%arg0: i32, %arg1: i32, %arg2: memref<3200x128xi32, #tpu.memory_space<hbm>>, %arg3: memref<3200x128xi32, #tpu.memory_space<hbm>>, %arg4: memref<1000001x64xf32, #tpu.memory_space<hbm>>, %arg5: memref<409600x128xf32, #tpu.memory_space<hbm>>, %arg6: memref<100x128xi32, #tpu.memory_space<vmem>>, %arg7: memref<100x128xi32, #tpu.memory_space<vmem>>, %arg8: memref<4x128x64xf32, #tpu.memory_space<vmem>>, %arg9: memref<4x128x64xf32, #tpu.memory_space<vmem>>, %arg10: memref<!tpu.dma_semaphore, #tpu.memory_space<semaphore_mem>>, %arg11: memref<!tpu.dma_semaphore, #tpu.memory_space<semaphore_mem>>, %arg12: memref<!tpu.dma_semaphore, #tpu.memory_space<semaphore_mem>>, %arg13: memref<!tpu.dma_semaphore, #tpu.memory_space<semaphore_mem>>) attributes {dimension_semantics = [#tpu.dimension_semantics<core_parallel>, #tpu.dimension_semantics<subcore_parallel>], iteration_bounds = array<i64: 2, 16>, scalar_prefetch = 0 : i64, scratch_operands = 8 : i64, tpu.core_type = #tpu.core_type<sc_vector_subcore>, window_params = [{transform_indices = #map}, {transform_indices = #map}, {transform_indices = #map}, {transform_indices = #map}]} {
    %mul3A = arith.constant 2 : i32
    %mul3A_0 = arith.muli %arg1, %mul3A : i32
    %add3A = arith.addi %mul3A_0, %arg0 : i32
    %mul3A_1 = arith.constant 100 : i32
    %mul3A_2 = arith.muli %add3A, %mul3A_1 : i32
    "tpu.region"() ({
      %run_scoped3A = tpu.sem_alloc : memref<!tpu.dma_semaphore, #tpu.memory_space<semaphore_mem>>
      %dma_start3A_107 = arith.constant 0 : i32
      %dma_start3A_108 = tpu.memref_slice %arg2[%mul3A_2, %dma_start3A_107] : memref<3200x128xi32, #tpu.memory_space<hbm>> -> memref<100x128xi32, #tpu.memory_space<hbm>>
      %dma_start3A_109 = arith.constant 0 : i32
      %dma_start3A_110 = tpu.memref_slice %arg2[%mul3A_2, %dma_start3A_109] : memref<3200x128xi32, #tpu.memory_space<hbm>> -> memref<100x128xi32, #tpu.memory_space<hbm>>
      tpu.enqueue_dma source(%dma_start3A_110 : memref<100x128xi32, #tpu.memory_space<hbm>>) target(%arg6 : memref<100x128xi32, #tpu.memory_space<vmem>>) target_semaphore(%run_scoped3A : memref<!tpu.dma_semaphore, #tpu.memory_space<semaphore_mem>>)
      %dma_wait3A = arith.constant 0 : i32
      %dma_wait3A_111 = tpu.memref_slice %arg2[%mul3A_2, %dma_wait3A] : memref<3200x128xi32, #tpu.memory_space<hbm>> -> memref<100x128xi32, #tpu.memory_space<hbm>>
      %dma_wait3A_112 = arith.constant 0 : i32
      %dma_wait3A_113 = tpu.memref_slice %arg2[%mul3A_2, %dma_wait3A_112] : memref<3200x128xi32, #tpu.memory_space<hbm>> -> memref<100x128xi32, #tpu.memory_space<hbm>>
      tpu.wait_dma2 semaphore(%run_scoped3A : memref<!tpu.dma_semaphore, #tpu.memory_space<semaphore_mem>>) src(%dma_wait3A_113 : memref<100x128xi32, #tpu.memory_space<hbm>>) dst(%arg6 : memref<100x128xi32, #tpu.memory_space<vmem>>)
      tpu.yield
    }) : () -> ()
    %mul3A_3 = arith.constant 100 : i32
    %mul3A_4 = arith.muli %add3A, %mul3A_3 : i32
    "tpu.region"() ({
      %run_scoped3A = tpu.sem_alloc : memref<!tpu.dma_semaphore, #tpu.memory_space<semaphore_mem>>
      %dma_start3A_107 = arith.constant 0 : i32
      %dma_start3A_108 = tpu.memref_slice %arg3[%mul3A_4, %dma_start3A_107] : memref<3200x128xi32, #tpu.memory_space<hbm>> -> memref<100x128xi32, #tpu.memory_space<hbm>>
      %dma_start3A_109 = arith.constant 0 : i32
      %dma_start3A_110 = tpu.memref_slice %arg3[%mul3A_4, %dma_start3A_109] : memref<3200x128xi32, #tpu.memory_space<hbm>> -> memref<100x128xi32, #tpu.memory_space<hbm>>
      tpu.enqueue_dma source(%dma_start3A_110 : memref<100x128xi32, #tpu.memory_space<hbm>>) target(%arg7 : memref<100x128xi32, #tpu.memory_space<vmem>>) target_semaphore(%run_scoped3A : memref<!tpu.dma_semaphore, #tpu.memory_space<semaphore_mem>>)
      %dma_wait3A = arith.constant 0 : i32
      %dma_wait3A_111 = tpu.memref_slice %arg3[%mul3A_4, %dma_wait3A] : memref<3200x128xi32, #tpu.memory_space<hbm>> -> memref<100x128xi32, #tpu.memory_space<hbm>>
      %dma_wait3A_112 = arith.constant 0 : i32
      %dma_wait3A_113 = tpu.memref_slice %arg3[%mul3A_4, %dma_wait3A_112] : memref<3200x128xi32, #tpu.memory_space<hbm>> -> memref<100x128xi32, #tpu.memory_space<hbm>>
      tpu.wait_dma2 semaphore(%run_scoped3A : memref<!tpu.dma_semaphore, #tpu.memory_space<semaphore_mem>>) src(%dma_wait3A_113 : memref<100x128xi32, #tpu.memory_space<hbm>>) dst(%arg7 : memref<100x128xi32, #tpu.memory_space<vmem>>)
      tpu.yield
    }) : () -> ()
    %mul3A_5 = arith.constant 12800 : i32
    %mul3A_6 = arith.muli %add3A, %mul3A_5 : i32
    %dma_start3A = arith.constant 0 : i32
    %dma_start3A_7 = arith.constant 0 : i32
    %dma_start3A_8 = arith.constant 0 : i32
    %dma_start3A_9 = arith.constant 0 : i32
    %dma_start3A_10 = tpu.memref_slice %arg8[%dma_start3A_7, %dma_start3A_8, %dma_start3A_9] : memref<4x128x64xf32, #tpu.memory_space<vmem>> -> memref<1x128x64xf32, #tpu.memory_space<vmem>>
    %dma_start3A_11 = tpu.memref_squeeze %dma_start3A_10 : memref<1x128x64xf32, #tpu.memory_space<vmem>> -> memref<128x64xf32, #tpu.memory_space<vmem>>
    %dma_start3A_12 = arith.constant 0 : i32
    %dma_start3A_13 = tpu.memref_slice %arg6[%dma_start3A, %dma_start3A_12] : memref<100x128xi32, #tpu.memory_space<vmem>> -> memref<1x128xi32, #tpu.memory_space<vmem>>
    %dma_start3A_14 = tpu.memref_squeeze %dma_start3A_13 : memref<1x128xi32, #tpu.memory_space<vmem>> -> memref<128xi32, #tpu.memory_space<vmem>>
    %dma_start3A_15 = arith.constant 0 : i32
    %dma_start3A_16 = arith.constant 0 : i32
    %dma_start3A_17 = tpu.memref_slice %arg4[%dma_start3A_15, %dma_start3A_16] : memref<1000001x64xf32, #tpu.memory_space<hbm>> -> memref<1000001x64xf32, #tpu.memory_space<hbm>>
    tpu.enqueue_indirect_dma source(%dma_start3A_17 : memref<1000001x64xf32, #tpu.memory_space<hbm>>) target(%dma_start3A_11 : memref<128x64xf32, #tpu.memory_space<vmem>>) offsets(%dma_start3A_14 : memref<128xi32, #tpu.memory_space<vmem>>) semaphore(%arg10 : memref<!tpu.dma_semaphore, #tpu.memory_space<semaphore_mem>>)
    %dma_start3A_18 = arith.constant 0 : i32
    %dma_start3A_19 = arith.constant 0 : i32
    %dma_start3A_20 = arith.constant 0 : i32
    %dma_start3A_21 = arith.constant 0 : i32
    %dma_start3A_22 = tpu.memref_slice %arg9[%dma_start3A_19, %dma_start3A_20, %dma_start3A_21] : memref<4x128x64xf32, #tpu.memory_space<vmem>> -> memref<1x128x64xf32, #tpu.memory_space<vmem>>
    %dma_start3A_23 = tpu.memref_squeeze %dma_start3A_22 : memref<1x128x64xf32, #tpu.memory_space<vmem>> -> memref<128x64xf32, #tpu.memory_space<vmem>>
    %dma_start3A_24 = arith.constant 0 : i32
    %dma_start3A_25 = tpu.memref_slice %arg7[%dma_start3A_18, %dma_start3A_24] : memref<100x128xi32, #tpu.memory_space<vmem>> -> memref<1x128xi32, #tpu.memory_space<vmem>>
    %dma_start3A_26 = tpu.memref_squeeze %dma_start3A_25 : memref<1x128xi32, #tpu.memory_space<vmem>> -> memref<128xi32, #tpu.memory_space<vmem>>
    %dma_start3A_27 = arith.constant 0 : i32
    %dma_start3A_28 = arith.constant 0 : i32
    %dma_start3A_29 = tpu.memref_slice %arg4[%dma_start3A_27, %dma_start3A_28] : memref<1000001x64xf32, #tpu.memory_space<hbm>> -> memref<1000001x64xf32, #tpu.memory_space<hbm>>
    tpu.enqueue_indirect_dma source(%dma_start3A_29 : memref<1000001x64xf32, #tpu.memory_space<hbm>>) target(%dma_start3A_23 : memref<128x64xf32, #tpu.memory_space<vmem>>) offsets(%dma_start3A_26 : memref<128xi32, #tpu.memory_space<vmem>>) semaphore(%arg10 : memref<!tpu.dma_semaphore, #tpu.memory_space<semaphore_mem>>)
    %dma_start3A_30 = arith.constant 1 : i32
    %dma_start3A_31 = arith.constant 1 : i32
    %dma_start3A_32 = arith.constant 0 : i32
    %dma_start3A_33 = arith.constant 0 : i32
    %dma_start3A_34 = tpu.memref_slice %arg8[%dma_start3A_31, %dma_start3A_32, %dma_start3A_33] : memref<4x128x64xf32, #tpu.memory_space<vmem>> -> memref<1x128x64xf32, #tpu.memory_space<vmem>>
    %dma_start3A_35 = tpu.memref_squeeze %dma_start3A_34 : memref<1x128x64xf32, #tpu.memory_space<vmem>> -> memref<128x64xf32, #tpu.memory_space<vmem>>
    %dma_start3A_36 = arith.constant 0 : i32
    %dma_start3A_37 = tpu.memref_slice %arg6[%dma_start3A_30, %dma_start3A_36] : memref<100x128xi32, #tpu.memory_space<vmem>> -> memref<1x128xi32, #tpu.memory_space<vmem>>
    %dma_start3A_38 = tpu.memref_squeeze %dma_start3A_37 : memref<1x128xi32, #tpu.memory_space<vmem>> -> memref<128xi32, #tpu.memory_space<vmem>>
    %dma_start3A_39 = arith.constant 0 : i32
    %dma_start3A_40 = arith.constant 0 : i32
    %dma_start3A_41 = tpu.memref_slice %arg4[%dma_start3A_39, %dma_start3A_40] : memref<1000001x64xf32, #tpu.memory_space<hbm>> -> memref<1000001x64xf32, #tpu.memory_space<hbm>>
    tpu.enqueue_indirect_dma source(%dma_start3A_41 : memref<1000001x64xf32, #tpu.memory_space<hbm>>) target(%dma_start3A_35 : memref<128x64xf32, #tpu.memory_space<vmem>>) offsets(%dma_start3A_38 : memref<128xi32, #tpu.memory_space<vmem>>) semaphore(%arg11 : memref<!tpu.dma_semaphore, #tpu.memory_space<semaphore_mem>>)
    %dma_start3A_42 = arith.constant 1 : i32
    %dma_start3A_43 = arith.constant 1 : i32
    %dma_start3A_44 = arith.constant 0 : i32
    %dma_start3A_45 = arith.constant 0 : i32
    %dma_start3A_46 = tpu.memref_slice %arg9[%dma_start3A_43, %dma_start3A_44, %dma_start3A_45] : memref<4x128x64xf32, #tpu.memory_space<vmem>> -> memref<1x128x64xf32, #tpu.memory_space<vmem>>
    %dma_start3A_47 = tpu.memref_squeeze %dma_start3A_46 : memref<1x128x64xf32, #tpu.memory_space<vmem>> -> memref<128x64xf32, #tpu.memory_space<vmem>>
    %dma_start3A_48 = arith.constant 0 : i32
    %dma_start3A_49 = tpu.memref_slice %arg7[%dma_start3A_42, %dma_start3A_48] : memref<100x128xi32, #tpu.memory_space<vmem>> -> memref<1x128xi32, #tpu.memory_space<vmem>>
    %dma_start3A_50 = tpu.memref_squeeze %dma_start3A_49 : memref<1x128xi32, #tpu.memory_space<vmem>> -> memref<128xi32, #tpu.memory_space<vmem>>
    %dma_start3A_51 = arith.constant 0 : i32
    %dma_start3A_52 = arith.constant 0 : i32
    %dma_start3A_53 = tpu.memref_slice %arg4[%dma_start3A_51, %dma_start3A_52] : memref<1000001x64xf32, #tpu.memory_space<hbm>> -> memref<1000001x64xf32, #tpu.memory_space<hbm>>
    tpu.enqueue_indirect_dma source(%dma_start3A_53 : memref<1000001x64xf32, #tpu.memory_space<hbm>>) target(%dma_start3A_47 : memref<128x64xf32, #tpu.memory_space<vmem>>) offsets(%dma_start3A_50 : memref<128xi32, #tpu.memory_space<vmem>>) semaphore(%arg11 : memref<!tpu.dma_semaphore, #tpu.memory_space<semaphore_mem>>)
    %dma_start3A_54 = arith.constant 2 : i32
    %dma_start3A_55 = arith.constant 2 : i32
    %dma_start3A_56 = arith.constant 0 : i32
    %dma_start3A_57 = arith.constant 0 : i32
    %dma_start3A_58 = tpu.memref_slice %arg8[%dma_start3A_55, %dma_start3A_56, %dma_start3A_57] : memref<4x128x64xf32, #tpu.memory_space<vmem>> -> memref<1x128x64xf32, #tpu.memory_space<vmem>>
    %dma_start3A_59 = tpu.memref_squeeze %dma_start3A_58 : memref<1x128x64xf32, #tpu.memory_space<vmem>> -> memref<128x64xf32, #tpu.memory_space<vmem>>
    %dma_start3A_60 = arith.constant 0 : i32
    %dma_start3A_61 = tpu.memref_slice %arg6[%dma_start3A_54, %dma_start3A_60] : memref<100x128xi32, #tpu.memory_space<vmem>> -> memref<1x128xi32, #tpu.memory_space<vmem>>
    %dma_start3A_62 = tpu.memref_squeeze %dma_start3A_61 : memref<1x128xi32, #tpu.memory_space<vmem>> -> memref<128xi32, #tpu.memory_space<vmem>>
    %dma_start3A_63 = arith.constant 0 : i32
    %dma_start3A_64 = arith.constant 0 : i32
    %dma_start3A_65 = tpu.memref_slice %arg4[%dma_start3A_63, %dma_start3A_64] : memref<1000001x64xf32, #tpu.memory_space<hbm>> -> memref<1000001x64xf32, #tpu.memory_space<hbm>>
    tpu.enqueue_indirect_dma source(%dma_start3A_65 : memref<1000001x64xf32, #tpu.memory_space<hbm>>) target(%dma_start3A_59 : memref<128x64xf32, #tpu.memory_space<vmem>>) offsets(%dma_start3A_62 : memref<128xi32, #tpu.memory_space<vmem>>) semaphore(%arg12 : memref<!tpu.dma_semaphore, #tpu.memory_space<semaphore_mem>>)
    %dma_start3A_66 = arith.constant 2 : i32
    %dma_start3A_67 = arith.constant 2 : i32
    %dma_start3A_68 = arith.constant 0 : i32
    %dma_start3A_69 = arith.constant 0 : i32
    %dma_start3A_70 = tpu.memref_slice %arg9[%dma_start3A_67, %dma_start3A_68, %dma_start3A_69] : memref<4x128x64xf32, #tpu.memory_space<vmem>> -> memref<1x128x64xf32, #tpu.memory_space<vmem>>
    %dma_start3A_71 = tpu.memref_squeeze %dma_start3A_70 : memref<1x128x64xf32, #tpu.memory_space<vmem>> -> memref<128x64xf32, #tpu.memory_space<vmem>>
    %dma_start3A_72 = arith.constant 0 : i32
    %dma_start3A_73 = tpu.memref_slice %arg7[%dma_start3A_66, %dma_start3A_72] : memref<100x128xi32, #tpu.memory_space<vmem>> -> memref<1x128xi32, #tpu.memory_space<vmem>>
    %dma_start3A_74 = tpu.memref_squeeze %dma_start3A_73 : memref<1x128xi32, #tpu.memory_space<vmem>> -> memref<128xi32, #tpu.memory_space<vmem>>
    %dma_start3A_75 = arith.constant 0 : i32
    %dma_start3A_76 = arith.constant 0 : i32
    %dma_start3A_77 = tpu.memref_slice %arg4[%dma_start3A_75, %dma_start3A_76] : memref<1000001x64xf32, #tpu.memory_space<hbm>> -> memref<1000001x64xf32, #tpu.memory_space<hbm>>
    tpu.enqueue_indirect_dma source(%dma_start3A_77 : memref<1000001x64xf32, #tpu.memory_space<hbm>>) target(%dma_start3A_71 : memref<128x64xf32, #tpu.memory_space<vmem>>) offsets(%dma_start3A_74 : memref<128xi32, #tpu.memory_space<vmem>>) semaphore(%arg12 : memref<!tpu.dma_semaphore, #tpu.memory_space<semaphore_mem>>)
    %dma_start3A_78 = arith.constant 3 : i32
    %dma_start3A_79 = arith.constant 3 : i32
    %dma_start3A_80 = arith.constant 0 : i32
    %dma_start3A_81 = arith.constant 0 : i32
    %dma_start3A_82 = tpu.memref_slice %arg8[%dma_start3A_79, %dma_start3A_80, %dma_start3A_81] : memref<4x128x64xf32, #tpu.memory_space<vmem>> -> memref<1x128x64xf32, #tpu.memory_space<vmem>>
    %dma_start3A_83 = tpu.memref_squeeze %dma_start3A_82 : memref<1x128x64xf32, #tpu.memory_space<vmem>> -> memref<128x64xf32, #tpu.memory_space<vmem>>
    %dma_start3A_84 = arith.constant 0 : i32
    %dma_start3A_85 = tpu.memref_slice %arg6[%dma_start3A_78, %dma_start3A_84] : memref<100x128xi32, #tpu.memory_space<vmem>> -> memref<1x128xi32, #tpu.memory_space<vmem>>
    %dma_start3A_86 = tpu.memref_squeeze %dma_start3A_85 : memref<1x128xi32, #tpu.memory_space<vmem>> -> memref<128xi32, #tpu.memory_space<vmem>>
    %dma_start3A_87 = arith.constant 0 : i32
    %dma_start3A_88 = arith.constant 0 : i32
    %dma_start3A_89 = tpu.memref_slice %arg4[%dma_start3A_87, %dma_start3A_88] : memref<1000001x64xf32, #tpu.memory_space<hbm>> -> memref<1000001x64xf32, #tpu.memory_space<hbm>>
    tpu.enqueue_indirect_dma source(%dma_start3A_89 : memref<1000001x64xf32, #tpu.memory_space<hbm>>) target(%dma_start3A_83 : memref<128x64xf32, #tpu.memory_space<vmem>>) offsets(%dma_start3A_86 : memref<128xi32, #tpu.memory_space<vmem>>) semaphore(%arg13 : memref<!tpu.dma_semaphore, #tpu.memory_space<semaphore_mem>>)
    %dma_start3A_90 = arith.constant 3 : i32
    %dma_start3A_91 = arith.constant 3 : i32
    %dma_start3A_92 = arith.constant 0 : i32
    %dma_start3A_93 = arith.constant 0 : i32
    %dma_start3A_94 = tpu.memref_slice %arg9[%dma_start3A_91, %dma_start3A_92, %dma_start3A_93] : memref<4x128x64xf32, #tpu.memory_space<vmem>> -> memref<1x128x64xf32, #tpu.memory_space<vmem>>
    %dma_start3A_95 = tpu.memref_squeeze %dma_start3A_94 : memref<1x128x64xf32, #tpu.memory_space<vmem>> -> memref<128x64xf32, #tpu.memory_space<vmem>>
    %dma_start3A_96 = arith.constant 0 : i32
    %dma_start3A_97 = tpu.memref_slice %arg7[%dma_start3A_90, %dma_start3A_96] : memref<100x128xi32, #tpu.memory_space<vmem>> -> memref<1x128xi32, #tpu.memory_space<vmem>>
    %dma_start3A_98 = tpu.memref_squeeze %dma_start3A_97 : memref<1x128xi32, #tpu.memory_space<vmem>> -> memref<128xi32, #tpu.memory_space<vmem>>
    %dma_start3A_99 = arith.constant 0 : i32
    %dma_start3A_100 = arith.constant 0 : i32
    %dma_start3A_101 = tpu.memref_slice %arg4[%dma_start3A_99, %dma_start3A_100] : memref<1000001x64xf32, #tpu.memory_space<hbm>> -> memref<1000001x64xf32, #tpu.memory_space<hbm>>
    tpu.enqueue_indirect_dma source(%dma_start3A_101 : memref<1000001x64xf32, #tpu.memory_space<hbm>>) target(%dma_start3A_95 : memref<128x64xf32, #tpu.memory_space<vmem>>) offsets(%dma_start3A_98 : memref<128xi32, #tpu.memory_space<vmem>>) semaphore(%arg13 : memref<!tpu.dma_semaphore, #tpu.memory_space<semaphore_mem>>)
    %scan3A = arith.constant 0 : i32
    %scan3A_102 = arith.constant 0 : i32
    %scan3A_103 = arith.constant 25 : i32
    %scan3A_104 = arith.addi %scan3A_102, %scan3A_103 : i32
    %scan3A_105 = arith.constant 1 : i32
    scf.for %scan3A_107 = %scan3A_102 to %scan3A_104 step %scan3A_105  : i32 {
      %mul3A_108 = arith.constant 4 : i32
      %mul3A_109 = arith.muli %scan3A_107, %mul3A_108 : i32
      %add3A_110 = arith.constant 0 : i32
      %add3A_111 = arith.addi %mul3A_109, %add3A_110 : i32
      %dma_wait3A = arith.constant 0 : i32
      %dma_wait3A_112 = arith.constant 0 : i32
      %dma_wait3A_113 = arith.constant 0 : i32
      %dma_wait3A_114 = tpu.memref_slice %arg8[%dma_wait3A, %dma_wait3A_112, %dma_wait3A_113] : memref<4x128x64xf32, #tpu.memory_space<vmem>> -> memref<1x128x64xf32, #tpu.memory_space<vmem>>
      %dma_wait3A_115 = tpu.memref_squeeze %dma_wait3A_114 : memref<1x128x64xf32, #tpu.memory_space<vmem>> -> memref<128x64xf32, #tpu.memory_space<vmem>>
      %dma_wait3A_116 = arith.constant 0 : i32
      %dma_wait3A_117 = tpu.memref_slice %arg6[%add3A_111, %dma_wait3A_116] : memref<100x128xi32, #tpu.memory_space<vmem>> -> memref<1x128xi32, #tpu.memory_space<vmem>>
      %dma_wait3A_118 = tpu.memref_squeeze %dma_wait3A_117 : memref<1x128xi32, #tpu.memory_space<vmem>> -> memref<128xi32, #tpu.memory_space<vmem>>
      %dma_wait3A_119 = arith.constant 0 : i32
      %dma_wait3A_120 = arith.constant 0 : i32
      %dma_wait3A_121 = tpu.memref_slice %arg4[%dma_wait3A_119, %dma_wait3A_120] : memref<1000001x64xf32, #tpu.memory_space<hbm>> -> memref<1000001x64xf32, #tpu.memory_space<hbm>>
      tpu.wait_indirect_dma semaphore(%arg10 : memref<!tpu.dma_semaphore, #tpu.memory_space<semaphore_mem>>) src(%dma_wait3A_121 : memref<1000001x64xf32, #tpu.memory_space<hbm>>) dst(%dma_wait3A_115 : memref<128x64xf32, #tpu.memory_space<vmem>>)
      %dma_wait3A_122 = arith.constant 0 : i32
      %dma_wait3A_123 = arith.constant 0 : i32
      %dma_wait3A_124 = arith.constant 0 : i32
      %dma_wait3A_125 = tpu.memref_slice %arg9[%dma_wait3A_122, %dma_wait3A_123, %dma_wait3A_124] : memref<4x128x64xf32, #tpu.memory_space<vmem>> -> memref<1x128x64xf32, #tpu.memory_space<vmem>>
      %dma_wait3A_126 = tpu.memref_squeeze %dma_wait3A_125 : memref<1x128x64xf32, #tpu.memory_space<vmem>> -> memref<128x64xf32, #tpu.memory_space<vmem>>
      %dma_wait3A_127 = arith.constant 0 : i32
      %dma_wait3A_128 = tpu.memref_slice %arg7[%add3A_111, %dma_wait3A_127] : memref<100x128xi32, #tpu.memory_space<vmem>> -> memref<1x128xi32, #tpu.memory_space<vmem>>
      %dma_wait3A_129 = tpu.memref_squeeze %dma_wait3A_128 : memref<1x128xi32, #tpu.memory_space<vmem>> -> memref<128xi32, #tpu.memory_space<vmem>>
      %dma_wait3A_130 = arith.constant 0 : i32
      %dma_wait3A_131 = arith.constant 0 : i32
      %dma_wait3A_132 = tpu.memref_slice %arg4[%dma_wait3A_130, %dma_wait3A_131] : memref<1000001x64xf32, #tpu.memory_space<hbm>> -> memref<1000001x64xf32, #tpu.memory_space<hbm>>
      tpu.wait_indirect_dma semaphore(%arg10 : memref<!tpu.dma_semaphore, #tpu.memory_space<semaphore_mem>>) src(%dma_wait3A_132 : memref<1000001x64xf32, #tpu.memory_space<hbm>>) dst(%dma_wait3A_126 : memref<128x64xf32, #tpu.memory_space<vmem>>)
      %mul3A_133 = arith.constant 128 : i32
      %mul3A_134 = arith.muli %add3A_111, %mul3A_133 : i32
      %add3A_135 = arith.addi %mul3A_6, %mul3A_134 : i32
      %run_scoped3A = arith.constant 0 : i32
      "tpu.region"() ({
        %run_scoped3A_249 = tpu.sem_alloc : memref<!tpu.dma_semaphore, #tpu.memory_space<semaphore_mem>>
        %dma_start3A_250 = arith.constant 0 : i32
        %dma_start3A_251 = arith.constant 0 : i32
        %dma_start3A_252 = tpu.memref_slice %arg8[%run_scoped3A, %dma_start3A_250, %dma_start3A_251] : memref<4x128x64xf32, #tpu.memory_space<vmem>> -> memref<1x128x64xf32, #tpu.memory_space<vmem>>
        %dma_start3A_253 = tpu.memref_squeeze %dma_start3A_252 : memref<1x128x64xf32, #tpu.memory_space<vmem>> -> memref<128x64xf32, #tpu.memory_space<vmem>>
        %dma_start3A_254 = arith.constant 0 : i32
        %dma_start3A_255 = tpu.memref_slice %arg5[%add3A_135, %dma_start3A_254] : memref<409600x128xf32, #tpu.memory_space<hbm>> -> memref<128x64xf32, #tpu.memory_space<hbm>>
        %dma_start3A_256 = arith.constant 0 : i32
        %dma_start3A_257 = tpu.memref_slice %arg5[%add3A_135, %dma_start3A_256] : memref<409600x128xf32, #tpu.memory_space<hbm>> -> memref<128x64xf32, #tpu.memory_space<hbm>>
        %dma_start3A_258 = arith.constant 0 : i32
        %dma_start3A_259 = arith.constant 0 : i32
        %dma_start3A_260 = tpu.memref_slice %arg8[%run_scoped3A, %dma_start3A_258, %dma_start3A_259] : memref<4x128x64xf32, #tpu.memory_space<vmem>> -> memref<1x128x64xf32, #tpu.memory_space<vmem>>
        %dma_start3A_261 = tpu.memref_squeeze %dma_start3A_260 : memref<1x128x64xf32, #tpu.memory_space<vmem>> -> memref<128x64xf32, #tpu.memory_space<vmem>>
        tpu.enqueue_dma source(%dma_start3A_261 : memref<128x64xf32, #tpu.memory_space<vmem>>) target(%dma_start3A_257 : memref<128x64xf32, #tpu.memory_space<hbm>>) target_semaphore(%run_scoped3A_249 : memref<!tpu.dma_semaphore, #tpu.memory_space<semaphore_mem>>)
        %dma_wait3A_262 = arith.constant 0 : i32
        %dma_wait3A_263 = arith.constant 0 : i32
        %dma_wait3A_264 = tpu.memref_slice %arg8[%run_scoped3A, %dma_wait3A_262, %dma_wait3A_263] : memref<4x128x64xf32, #tpu.memory_space<vmem>> -> memref<1x128x64xf32, #tpu.memory_space<vmem>>
        %dma_wait3A_265 = tpu.memref_squeeze %dma_wait3A_264 : memref<1x128x64xf32, #tpu.memory_space<vmem>> -> memref<128x64xf32, #tpu.memory_space<vmem>>
        %dma_wait3A_266 = arith.constant 0 : i32
        %dma_wait3A_267 = tpu.memref_slice %arg5[%add3A_135, %dma_wait3A_266] : memref<409600x128xf32, #tpu.memory_space<hbm>> -> memref<128x64xf32, #tpu.memory_space<hbm>>
        %dma_wait3A_268 = arith.constant 0 : i32
        %dma_wait3A_269 = tpu.memref_slice %arg5[%add3A_135, %dma_wait3A_268] : memref<409600x128xf32, #tpu.memory_space<hbm>> -> memref<128x64xf32, #tpu.memory_space<hbm>>
        %dma_wait3A_270 = arith.constant 0 : i32
        %dma_wait3A_271 = arith.constant 0 : i32
        %dma_wait3A_272 = tpu.memref_slice %arg8[%run_scoped3A, %dma_wait3A_270, %dma_wait3A_271] : memref<4x128x64xf32, #tpu.memory_space<vmem>> -> memref<1x128x64xf32, #tpu.memory_space<vmem>>
        %dma_wait3A_273 = tpu.memref_squeeze %dma_wait3A_272 : memref<1x128x64xf32, #tpu.memory_space<vmem>> -> memref<128x64xf32, #tpu.memory_space<vmem>>
        tpu.wait_dma2 semaphore(%run_scoped3A_249 : memref<!tpu.dma_semaphore, #tpu.memory_space<semaphore_mem>>) src(%dma_wait3A_273 : memref<128x64xf32, #tpu.memory_space<vmem>>) dst(%dma_wait3A_269 : memref<128x64xf32, #tpu.memory_space<hbm>>)
        tpu.yield
      }) : () -> ()
      %run_scoped3A_136 = arith.constant 0 : i32
      "tpu.region"() ({
        %run_scoped3A_249 = tpu.sem_alloc : memref<!tpu.dma_semaphore, #tpu.memory_space<semaphore_mem>>
        %dma_start3A_250 = arith.constant 0 : i32
        %dma_start3A_251 = arith.constant 0 : i32
        %dma_start3A_252 = tpu.memref_slice %arg9[%run_scoped3A_136, %dma_start3A_250, %dma_start3A_251] : memref<4x128x64xf32, #tpu.memory_space<vmem>> -> memref<1x128x64xf32, #tpu.memory_space<vmem>>
        %dma_start3A_253 = tpu.memref_squeeze %dma_start3A_252 : memref<1x128x64xf32, #tpu.memory_space<vmem>> -> memref<128x64xf32, #tpu.memory_space<vmem>>
        %dma_start3A_254 = arith.constant 64 : i32
        %dma_start3A_255 = tpu.memref_slice %arg5[%add3A_135, %dma_start3A_254] : memref<409600x128xf32, #tpu.memory_space<hbm>> -> memref<128x64xf32, #tpu.memory_space<hbm>>
        %dma_start3A_256 = arith.constant 64 : i32
        %dma_start3A_257 = tpu.memref_slice %arg5[%add3A_135, %dma_start3A_256] : memref<409600x128xf32, #tpu.memory_space<hbm>> -> memref<128x64xf32, #tpu.memory_space<hbm>>
        %dma_start3A_258 = arith.constant 0 : i32
        %dma_start3A_259 = arith.constant 0 : i32
        %dma_start3A_260 = tpu.memref_slice %arg9[%run_scoped3A_136, %dma_start3A_258, %dma_start3A_259] : memref<4x128x64xf32, #tpu.memory_space<vmem>> -> memref<1x128x64xf32, #tpu.memory_space<vmem>>
        %dma_start3A_261 = tpu.memref_squeeze %dma_start3A_260 : memref<1x128x64xf32, #tpu.memory_space<vmem>> -> memref<128x64xf32, #tpu.memory_space<vmem>>
        tpu.enqueue_dma source(%dma_start3A_261 : memref<128x64xf32, #tpu.memory_space<vmem>>) target(%dma_start3A_257 : memref<128x64xf32, #tpu.memory_space<hbm>>) target_semaphore(%run_scoped3A_249 : memref<!tpu.dma_semaphore, #tpu.memory_space<semaphore_mem>>)
        %dma_wait3A_262 = arith.constant 0 : i32
        %dma_wait3A_263 = arith.constant 0 : i32
        %dma_wait3A_264 = tpu.memref_slice %arg9[%run_scoped3A_136, %dma_wait3A_262, %dma_wait3A_263] : memref<4x128x64xf32, #tpu.memory_space<vmem>> -> memref<1x128x64xf32, #tpu.memory_space<vmem>>
        %dma_wait3A_265 = tpu.memref_squeeze %dma_wait3A_264 : memref<1x128x64xf32, #tpu.memory_space<vmem>> -> memref<128x64xf32, #tpu.memory_space<vmem>>
        %dma_wait3A_266 = arith.constant 64 : i32
        %dma_wait3A_267 = tpu.memref_slice %arg5[%add3A_135, %dma_wait3A_266] : memref<409600x128xf32, #tpu.memory_space<hbm>> -> memref<128x64xf32, #tpu.memory_space<hbm>>
        %dma_wait3A_268 = arith.constant 64 : i32
        %dma_wait3A_269 = tpu.memref_slice %arg5[%add3A_135, %dma_wait3A_268] : memref<409600x128xf32, #tpu.memory_space<hbm>> -> memref<128x64xf32, #tpu.memory_space<hbm>>
        %dma_wait3A_270 = arith.constant 0 : i32
        %dma_wait3A_271 = arith.constant 0 : i32
        %dma_wait3A_272 = tpu.memref_slice %arg9[%run_scoped3A_136, %dma_wait3A_270, %dma_wait3A_271] : memref<4x128x64xf32, #tpu.memory_space<vmem>> -> memref<1x128x64xf32, #tpu.memory_space<vmem>>
        %dma_wait3A_273 = tpu.memref_squeeze %dma_wait3A_272 : memref<1x128x64xf32, #tpu.memory_space<vmem>> -> memref<128x64xf32, #tpu.memory_space<vmem>>
        tpu.wait_dma2 semaphore(%run_scoped3A_249 : memref<!tpu.dma_semaphore, #tpu.memory_space<semaphore_mem>>) src(%dma_wait3A_273 : memref<128x64xf32, #tpu.memory_space<vmem>>) dst(%dma_wait3A_269 : memref<128x64xf32, #tpu.memory_space<hbm>>)
        tpu.yield
      }) : () -> ()
      %add3A_137 = arith.constant 4 : i32
      %add3A_138 = arith.addi %add3A_111, %add3A_137 : i32
      %lt3A = arith.constant 100 : i32
      %lt3A_139 = arith.cmpi slt, %add3A_138, %lt3A : i32
      %convert_element_type3A = arith.extui %lt3A_139 : i1 to i32
      %cond3A = arith.constant 0 : i32
      %cond3A_140 = arith.cmpi ne, %convert_element_type3A, %cond3A : i32
      scf.if %cond3A_140 {
        %add3A_249 = arith.constant 4 : i32
        %add3A_250 = arith.addi %add3A_111, %add3A_249 : i32
        %dma_start3A_251 = arith.constant 0 : i32
        %dma_start3A_252 = arith.constant 0 : i32
        %dma_start3A_253 = arith.constant 0 : i32
        %dma_start3A_254 = tpu.memref_slice %arg8[%dma_start3A_251, %dma_start3A_252, %dma_start3A_253] : memref<4x128x64xf32, #tpu.memory_space<vmem>> -> memref<1x128x64xf32, #tpu.memory_space<vmem>>
        %dma_start3A_255 = tpu.memref_squeeze %dma_start3A_254 : memref<1x128x64xf32, #tpu.memory_space<vmem>> -> memref<128x64xf32, #tpu.memory_space<vmem>>
        %dma_start3A_256 = arith.constant 0 : i32
        %dma_start3A_257 = tpu.memref_slice %arg6[%add3A_250, %dma_start3A_256] : memref<100x128xi32, #tpu.memory_space<vmem>> -> memref<1x128xi32, #tpu.memory_space<vmem>>
        %dma_start3A_258 = tpu.memref_squeeze %dma_start3A_257 : memref<1x128xi32, #tpu.memory_space<vmem>> -> memref<128xi32, #tpu.memory_space<vmem>>
        %dma_start3A_259 = arith.constant 0 : i32
        %dma_start3A_260 = arith.constant 0 : i32
        %dma_start3A_261 = tpu.memref_slice %arg4[%dma_start3A_259, %dma_start3A_260] : memref<1000001x64xf32, #tpu.memory_space<hbm>> -> memref<1000001x64xf32, #tpu.memory_space<hbm>>
        tpu.enqueue_indirect_dma source(%dma_start3A_261 : memref<1000001x64xf32, #tpu.memory_space<hbm>>) target(%dma_start3A_255 : memref<128x64xf32, #tpu.memory_space<vmem>>) offsets(%dma_start3A_258 : memref<128xi32, #tpu.memory_space<vmem>>) semaphore(%arg10 : memref<!tpu.dma_semaphore, #tpu.memory_space<semaphore_mem>>)
        %dma_start3A_262 = arith.constant 0 : i32
        %dma_start3A_263 = arith.constant 0 : i32
        %dma_start3A_264 = arith.constant 0 : i32
        %dma_start3A_265 = tpu.memref_slice %arg9[%dma_start3A_262, %dma_start3A_263, %dma_start3A_264] : memref<4x128x64xf32, #tpu.memory_space<vmem>> -> memref<1x128x64xf32, #tpu.memory_space<vmem>>
        %dma_start3A_266 = tpu.memref_squeeze %dma_start3A_265 : memref<1x128x64xf32, #tpu.memory_space<vmem>> -> memref<128x64xf32, #tpu.memory_space<vmem>>
        %dma_start3A_267 = arith.constant 0 : i32
        %dma_start3A_268 = tpu.memref_slice %arg7[%add3A_250, %dma_start3A_267] : memref<100x128xi32, #tpu.memory_space<vmem>> -> memref<1x128xi32, #tpu.memory_space<vmem>>
        %dma_start3A_269 = tpu.memref_squeeze %dma_start3A_268 : memref<1x128xi32, #tpu.memory_space<vmem>> -> memref<128xi32, #tpu.memory_space<vmem>>
        %dma_start3A_270 = arith.constant 0 : i32
        %dma_start3A_271 = arith.constant 0 : i32
        %dma_start3A_272 = tpu.memref_slice %arg4[%dma_start3A_270, %dma_start3A_271] : memref<1000001x64xf32, #tpu.memory_space<hbm>> -> memref<1000001x64xf32, #tpu.memory_space<hbm>>
        tpu.enqueue_indirect_dma source(%dma_start3A_272 : memref<1000001x64xf32, #tpu.memory_space<hbm>>) target(%dma_start3A_266 : memref<128x64xf32, #tpu.memory_space<vmem>>) offsets(%dma_start3A_269 : memref<128xi32, #tpu.memory_space<vmem>>) semaphore(%arg10 : memref<!tpu.dma_semaphore, #tpu.memory_space<semaphore_mem>>)
      } else {
      }
      %add3A_141 = arith.constant 1 : i32
      %add3A_142 = arith.addi %mul3A_109, %add3A_141 : i32
      %dma_wait3A_143 = arith.constant 1 : i32
      %dma_wait3A_144 = arith.constant 0 : i32
      %dma_wait3A_145 = arith.constant 0 : i32
      %dma_wait3A_146 = tpu.memref_slice %arg8[%dma_wait3A_143, %dma_wait3A_144, %dma_wait3A_145] : memref<4x128x64xf32, #tpu.memory_space<vmem>> -> memref<1x128x64xf32, #tpu.memory_space<vmem>>
      %dma_wait3A_147 = tpu.memref_squeeze %dma_wait3A_146 : memref<1x128x64xf32, #tpu.memory_space<vmem>> -> memref<128x64xf32, #tpu.memory_space<vmem>>
      %dma_wait3A_148 = arith.constant 0 : i32
      %dma_wait3A_149 = tpu.memref_slice %arg6[%add3A_142, %dma_wait3A_148] : memref<100x128xi32, #tpu.memory_space<vmem>> -> memref<1x128xi32, #tpu.memory_space<vmem>>
      %dma_wait3A_150 = tpu.memref_squeeze %dma_wait3A_149 : memref<1x128xi32, #tpu.memory_space<vmem>> -> memref<128xi32, #tpu.memory_space<vmem>>
      %dma_wait3A_151 = arith.constant 0 : i32
      %dma_wait3A_152 = arith.constant 0 : i32
      %dma_wait3A_153 = tpu.memref_slice %arg4[%dma_wait3A_151, %dma_wait3A_152] : memref<1000001x64xf32, #tpu.memory_space<hbm>> -> memref<1000001x64xf32, #tpu.memory_space<hbm>>
      tpu.wait_indirect_dma semaphore(%arg11 : memref<!tpu.dma_semaphore, #tpu.memory_space<semaphore_mem>>) src(%dma_wait3A_153 : memref<1000001x64xf32, #tpu.memory_space<hbm>>) dst(%dma_wait3A_147 : memref<128x64xf32, #tpu.memory_space<vmem>>)
      %dma_wait3A_154 = arith.constant 1 : i32
      %dma_wait3A_155 = arith.constant 0 : i32
      %dma_wait3A_156 = arith.constant 0 : i32
      %dma_wait3A_157 = tpu.memref_slice %arg9[%dma_wait3A_154, %dma_wait3A_155, %dma_wait3A_156] : memref<4x128x64xf32, #tpu.memory_space<vmem>> -> memref<1x128x64xf32, #tpu.memory_space<vmem>>
      %dma_wait3A_158 = tpu.memref_squeeze %dma_wait3A_157 : memref<1x128x64xf32, #tpu.memory_space<vmem>> -> memref<128x64xf32, #tpu.memory_space<vmem>>
      %dma_wait3A_159 = arith.constant 0 : i32
      %dma_wait3A_160 = tpu.memref_slice %arg7[%add3A_142, %dma_wait3A_159] : memref<100x128xi32, #tpu.memory_space<vmem>> -> memref<1x128xi32, #tpu.memory_space<vmem>>
      %dma_wait3A_161 = tpu.memref_squeeze %dma_wait3A_160 : memref<1x128xi32, #tpu.memory_space<vmem>> -> memref<128xi32, #tpu.memory_space<vmem>>
      %dma_wait3A_162 = arith.constant 0 : i32
      %dma_wait3A_163 = arith.constant 0 : i32
      %dma_wait3A_164 = tpu.memref_slice %arg4[%dma_wait3A_162, %dma_wait3A_163] : memref<1000001x64xf32, #tpu.memory_space<hbm>> -> memref<1000001x64xf32, #tpu.memory_space<hbm>>
      tpu.wait_indirect_dma semaphore(%arg11 : memref<!tpu.dma_semaphore, #tpu.memory_space<semaphore_mem>>) src(%dma_wait3A_164 : memref<1000001x64xf32, #tpu.memory_space<hbm>>) dst(%dma_wait3A_158 : memref<128x64xf32, #tpu.memory_space<vmem>>)
      %mul3A_165 = arith.constant 128 : i32
      %mul3A_166 = arith.muli %add3A_142, %mul3A_165 : i32
      %add3A_167 = arith.addi %mul3A_6, %mul3A_166 : i32
      %run_scoped3A_168 = arith.constant 1 : i32
      "tpu.region"() ({
        %run_scoped3A_249 = tpu.sem_alloc : memref<!tpu.dma_semaphore, #tpu.memory_space<semaphore_mem>>
        %dma_start3A_250 = arith.constant 0 : i32
        %dma_start3A_251 = arith.constant 0 : i32
        %dma_start3A_252 = tpu.memref_slice %arg8[%run_scoped3A_168, %dma_start3A_250, %dma_start3A_251] : memref<4x128x64xf32, #tpu.memory_space<vmem>> -> memref<1x128x64xf32, #tpu.memory_space<vmem>>
        %dma_start3A_253 = tpu.memref_squeeze %dma_start3A_252 : memref<1x128x64xf32, #tpu.memory_space<vmem>> -> memref<128x64xf32, #tpu.memory_space<vmem>>
        %dma_start3A_254 = arith.constant 0 : i32
        %dma_start3A_255 = tpu.memref_slice %arg5[%add3A_167, %dma_start3A_254] : memref<409600x128xf32, #tpu.memory_space<hbm>> -> memref<128x64xf32, #tpu.memory_space<hbm>>
        %dma_start3A_256 = arith.constant 0 : i32
        %dma_start3A_257 = tpu.memref_slice %arg5[%add3A_167, %dma_start3A_256] : memref<409600x128xf32, #tpu.memory_space<hbm>> -> memref<128x64xf32, #tpu.memory_space<hbm>>
        %dma_start3A_258 = arith.constant 0 : i32
        %dma_start3A_259 = arith.constant 0 : i32
        %dma_start3A_260 = tpu.memref_slice %arg8[%run_scoped3A_168, %dma_start3A_258, %dma_start3A_259] : memref<4x128x64xf32, #tpu.memory_space<vmem>> -> memref<1x128x64xf32, #tpu.memory_space<vmem>>
        %dma_start3A_261 = tpu.memref_squeeze %dma_start3A_260 : memref<1x128x64xf32, #tpu.memory_space<vmem>> -> memref<128x64xf32, #tpu.memory_space<vmem>>
        tpu.enqueue_dma source(%dma_start3A_261 : memref<128x64xf32, #tpu.memory_space<vmem>>) target(%dma_start3A_257 : memref<128x64xf32, #tpu.memory_space<hbm>>) target_semaphore(%run_scoped3A_249 : memref<!tpu.dma_semaphore, #tpu.memory_space<semaphore_mem>>)
        %dma_wait3A_262 = arith.constant 0 : i32
        %dma_wait3A_263 = arith.constant 0 : i32
        %dma_wait3A_264 = tpu.memref_slice %arg8[%run_scoped3A_168, %dma_wait3A_262, %dma_wait3A_263] : memref<4x128x64xf32, #tpu.memory_space<vmem>> -> memref<1x128x64xf32, #tpu.memory_space<vmem>>
        %dma_wait3A_265 = tpu.memref_squeeze %dma_wait3A_264 : memref<1x128x64xf32, #tpu.memory_space<vmem>> -> memref<128x64xf32, #tpu.memory_space<vmem>>
        %dma_wait3A_266 = arith.constant 0 : i32
        %dma_wait3A_267 = tpu.memref_slice %arg5[%add3A_167, %dma_wait3A_266] : memref<409600x128xf32, #tpu.memory_space<hbm>> -> memref<128x64xf32, #tpu.memory_space<hbm>>
        %dma_wait3A_268 = arith.constant 0 : i32
        %dma_wait3A_269 = tpu.memref_slice %arg5[%add3A_167, %dma_wait3A_268] : memref<409600x128xf32, #tpu.memory_space<hbm>> -> memref<128x64xf32, #tpu.memory_space<hbm>>
        %dma_wait3A_270 = arith.constant 0 : i32
        %dma_wait3A_271 = arith.constant 0 : i32
        %dma_wait3A_272 = tpu.memref_slice %arg8[%run_scoped3A_168, %dma_wait3A_270, %dma_wait3A_271] : memref<4x128x64xf32, #tpu.memory_space<vmem>> -> memref<1x128x64xf32, #tpu.memory_space<vmem>>
        %dma_wait3A_273 = tpu.memref_squeeze %dma_wait3A_272 : memref<1x128x64xf32, #tpu.memory_space<vmem>> -> memref<128x64xf32, #tpu.memory_space<vmem>>
        tpu.wait_dma2 semaphore(%run_scoped3A_249 : memref<!tpu.dma_semaphore, #tpu.memory_space<semaphore_mem>>) src(%dma_wait3A_273 : memref<128x64xf32, #tpu.memory_space<vmem>>) dst(%dma_wait3A_269 : memref<128x64xf32, #tpu.memory_space<hbm>>)
        tpu.yield
      }) : () -> ()
      %run_scoped3A_169 = arith.constant 1 : i32
      "tpu.region"() ({
        %run_scoped3A_249 = tpu.sem_alloc : memref<!tpu.dma_semaphore, #tpu.memory_space<semaphore_mem>>
        %dma_start3A_250 = arith.constant 0 : i32
        %dma_start3A_251 = arith.constant 0 : i32
        %dma_start3A_252 = tpu.memref_slice %arg9[%run_scoped3A_169, %dma_start3A_250, %dma_start3A_251] : memref<4x128x64xf32, #tpu.memory_space<vmem>> -> memref<1x128x64xf32, #tpu.memory_space<vmem>>
        %dma_start3A_253 = tpu.memref_squeeze %dma_start3A_252 : memref<1x128x64xf32, #tpu.memory_space<vmem>> -> memref<128x64xf32, #tpu.memory_space<vmem>>
        %dma_start3A_254 = arith.constant 64 : i32
        %dma_start3A_255 = tpu.memref_slice %arg5[%add3A_167, %dma_start3A_254] : memref<409600x128xf32, #tpu.memory_space<hbm>> -> memref<128x64xf32, #tpu.memory_space<hbm>>
        %dma_start3A_256 = arith.constant 64 : i32
        %dma_start3A_257 = tpu.memref_slice %arg5[%add3A_167, %dma_start3A_256] : memref<409600x128xf32, #tpu.memory_space<hbm>> -> memref<128x64xf32, #tpu.memory_space<hbm>>
        %dma_start3A_258 = arith.constant 0 : i32
        %dma_start3A_259 = arith.constant 0 : i32
        %dma_start3A_260 = tpu.memref_slice %arg9[%run_scoped3A_169, %dma_start3A_258, %dma_start3A_259] : memref<4x128x64xf32, #tpu.memory_space<vmem>> -> memref<1x128x64xf32, #tpu.memory_space<vmem>>
        %dma_start3A_261 = tpu.memref_squeeze %dma_start3A_260 : memref<1x128x64xf32, #tpu.memory_space<vmem>> -> memref<128x64xf32, #tpu.memory_space<vmem>>
        tpu.enqueue_dma source(%dma_start3A_261 : memref<128x64xf32, #tpu.memory_space<vmem>>) target(%dma_start3A_257 : memref<128x64xf32, #tpu.memory_space<hbm>>) target_semaphore(%run_scoped3A_249 : memref<!tpu.dma_semaphore, #tpu.memory_space<semaphore_mem>>)
        %dma_wait3A_262 = arith.constant 0 : i32
        %dma_wait3A_263 = arith.constant 0 : i32
        %dma_wait3A_264 = tpu.memref_slice %arg9[%run_scoped3A_169, %dma_wait3A_262, %dma_wait3A_263] : memref<4x128x64xf32, #tpu.memory_space<vmem>> -> memref<1x128x64xf32, #tpu.memory_space<vmem>>
        %dma_wait3A_265 = tpu.memref_squeeze %dma_wait3A_264 : memref<1x128x64xf32, #tpu.memory_space<vmem>> -> memref<128x64xf32, #tpu.memory_space<vmem>>
        %dma_wait3A_266 = arith.constant 64 : i32
        %dma_wait3A_267 = tpu.memref_slice %arg5[%add3A_167, %dma_wait3A_266] : memref<409600x128xf32, #tpu.memory_space<hbm>> -> memref<128x64xf32, #tpu.memory_space<hbm>>
        %dma_wait3A_268 = arith.constant 64 : i32
        %dma_wait3A_269 = tpu.memref_slice %arg5[%add3A_167, %dma_wait3A_268] : memref<409600x128xf32, #tpu.memory_space<hbm>> -> memref<128x64xf32, #tpu.memory_space<hbm>>
        %dma_wait3A_270 = arith.constant 0 : i32
        %dma_wait3A_271 = arith.constant 0 : i32
        %dma_wait3A_272 = tpu.memref_slice %arg9[%run_scoped3A_169, %dma_wait3A_270, %dma_wait3A_271] : memref<4x128x64xf32, #tpu.memory_space<vmem>> -> memref<1x128x64xf32, #tpu.memory_space<vmem>>
        %dma_wait3A_273 = tpu.memref_squeeze %dma_wait3A_272 : memref<1x128x64xf32, #tpu.memory_space<vmem>> -> memref<128x64xf32, #tpu.memory_space<vmem>>
        tpu.wait_dma2 semaphore(%run_scoped3A_249 : memref<!tpu.dma_semaphore, #tpu.memory_space<semaphore_mem>>) src(%dma_wait3A_273 : memref<128x64xf32, #tpu.memory_space<vmem>>) dst(%dma_wait3A_269 : memref<128x64xf32, #tpu.memory_space<hbm>>)
        tpu.yield
      }) : () -> ()
      %add3A_170 = arith.constant 4 : i32
      %add3A_171 = arith.addi %add3A_142, %add3A_170 : i32
      %lt3A_172 = arith.constant 100 : i32
      %lt3A_173 = arith.cmpi slt, %add3A_171, %lt3A_172 : i32
      %convert_element_type3A_174 = arith.extui %lt3A_173 : i1 to i32
      %cond3A_175 = arith.constant 0 : i32
      %cond3A_176 = arith.cmpi ne, %convert_element_type3A_174, %cond3A_175 : i32
      scf.if %cond3A_176 {
        %add3A_249 = arith.constant 4 : i32
        %add3A_250 = arith.addi %add3A_142, %add3A_249 : i32
        %dma_start3A_251 = arith.constant 1 : i32
        %dma_start3A_252 = arith.constant 0 : i32
        %dma_start3A_253 = arith.constant 0 : i32
        %dma_start3A_254 = tpu.memref_slice %arg8[%dma_start3A_251, %dma_start3A_252, %dma_start3A_253] : memref<4x128x64xf32, #tpu.memory_space<vmem>> -> memref<1x128x64xf32, #tpu.memory_space<vmem>>
        %dma_start3A_255 = tpu.memref_squeeze %dma_start3A_254 : memref<1x128x64xf32, #tpu.memory_space<vmem>> -> memref<128x64xf32, #tpu.memory_space<vmem>>
        %dma_start3A_256 = arith.constant 0 : i32
        %dma_start3A_257 = tpu.memref_slice %arg6[%add3A_250, %dma_start3A_256] : memref<100x128xi32, #tpu.memory_space<vmem>> -> memref<1x128xi32, #tpu.memory_space<vmem>>
        %dma_start3A_258 = tpu.memref_squeeze %dma_start3A_257 : memref<1x128xi32, #tpu.memory_space<vmem>> -> memref<128xi32, #tpu.memory_space<vmem>>
        %dma_start3A_259 = arith.constant 0 : i32
        %dma_start3A_260 = arith.constant 0 : i32
        %dma_start3A_261 = tpu.memref_slice %arg4[%dma_start3A_259, %dma_start3A_260] : memref<1000001x64xf32, #tpu.memory_space<hbm>> -> memref<1000001x64xf32, #tpu.memory_space<hbm>>
        tpu.enqueue_indirect_dma source(%dma_start3A_261 : memref<1000001x64xf32, #tpu.memory_space<hbm>>) target(%dma_start3A_255 : memref<128x64xf32, #tpu.memory_space<vmem>>) offsets(%dma_start3A_258 : memref<128xi32, #tpu.memory_space<vmem>>) semaphore(%arg11 : memref<!tpu.dma_semaphore, #tpu.memory_space<semaphore_mem>>)
        %dma_start3A_262 = arith.constant 1 : i32
        %dma_start3A_263 = arith.constant 0 : i32
        %dma_start3A_264 = arith.constant 0 : i32
        %dma_start3A_265 = tpu.memref_slice %arg9[%dma_start3A_262, %dma_start3A_263, %dma_start3A_264] : memref<4x128x64xf32, #tpu.memory_space<vmem>> -> memref<1x128x64xf32, #tpu.memory_space<vmem>>
        %dma_start3A_266 = tpu.memref_squeeze %dma_start3A_265 : memref<1x128x64xf32, #tpu.memory_space<vmem>> -> memref<128x64xf32, #tpu.memory_space<vmem>>
        %dma_start3A_267 = arith.constant 0 : i32
        %dma_start3A_268 = tpu.memref_slice %arg7[%add3A_250, %dma_start3A_267] : memref<100x128xi32, #tpu.memory_space<vmem>> -> memref<1x128xi32, #tpu.memory_space<vmem>>
        %dma_start3A_269 = tpu.memref_squeeze %dma_start3A_268 : memref<1x128xi32, #tpu.memory_space<vmem>> -> memref<128xi32, #tpu.memory_space<vmem>>
        %dma_start3A_270 = arith.constant 0 : i32
        %dma_start3A_271 = arith.constant 0 : i32
        %dma_start3A_272 = tpu.memref_slice %arg4[%dma_start3A_270, %dma_start3A_271] : memref<1000001x64xf32, #tpu.memory_space<hbm>> -> memref<1000001x64xf32, #tpu.memory_space<hbm>>
        tpu.enqueue_indirect_dma source(%dma_start3A_272 : memref<1000001x64xf32, #tpu.memory_space<hbm>>) target(%dma_start3A_266 : memref<128x64xf32, #tpu.memory_space<vmem>>) offsets(%dma_start3A_269 : memref<128xi32, #tpu.memory_space<vmem>>) semaphore(%arg11 : memref<!tpu.dma_semaphore, #tpu.memory_space<semaphore_mem>>)
      } else {
      }
      %add3A_177 = arith.constant 2 : i32
      %add3A_178 = arith.addi %mul3A_109, %add3A_177 : i32
      %dma_wait3A_179 = arith.constant 2 : i32
      %dma_wait3A_180 = arith.constant 0 : i32
      %dma_wait3A_181 = arith.constant 0 : i32
      %dma_wait3A_182 = tpu.memref_slice %arg8[%dma_wait3A_179, %dma_wait3A_180, %dma_wait3A_181] : memref<4x128x64xf32, #tpu.memory_space<vmem>> -> memref<1x128x64xf32, #tpu.memory_space<vmem>>
      %dma_wait3A_183 = tpu.memref_squeeze %dma_wait3A_182 : memref<1x128x64xf32, #tpu.memory_space<vmem>> -> memref<128x64xf32, #tpu.memory_space<vmem>>
      %dma_wait3A_184 = arith.constant 0 : i32
      %dma_wait3A_185 = tpu.memref_slice %arg6[%add3A_178, %dma_wait3A_184] : memref<100x128xi32, #tpu.memory_space<vmem>> -> memref<1x128xi32, #tpu.memory_space<vmem>>
      %dma_wait3A_186 = tpu.memref_squeeze %dma_wait3A_185 : memref<1x128xi32, #tpu.memory_space<vmem>> -> memref<128xi32, #tpu.memory_space<vmem>>
      %dma_wait3A_187 = arith.constant 0 : i32
      %dma_wait3A_188 = arith.constant 0 : i32
      %dma_wait3A_189 = tpu.memref_slice %arg4[%dma_wait3A_187, %dma_wait3A_188] : memref<1000001x64xf32, #tpu.memory_space<hbm>> -> memref<1000001x64xf32, #tpu.memory_space<hbm>>
      tpu.wait_indirect_dma semaphore(%arg12 : memref<!tpu.dma_semaphore, #tpu.memory_space<semaphore_mem>>) src(%dma_wait3A_189 : memref<1000001x64xf32, #tpu.memory_space<hbm>>) dst(%dma_wait3A_183 : memref<128x64xf32, #tpu.memory_space<vmem>>)
      %dma_wait3A_190 = arith.constant 2 : i32
      %dma_wait3A_191 = arith.constant 0 : i32
      %dma_wait3A_192 = arith.constant 0 : i32
      %dma_wait3A_193 = tpu.memref_slice %arg9[%dma_wait3A_190, %dma_wait3A_191, %dma_wait3A_192] : memref<4x128x64xf32, #tpu.memory_space<vmem>> -> memref<1x128x64xf32, #tpu.memory_space<vmem>>
      %dma_wait3A_194 = tpu.memref_squeeze %dma_wait3A_193 : memref<1x128x64xf32, #tpu.memory_space<vmem>> -> memref<128x64xf32, #tpu.memory_space<vmem>>
      %dma_wait3A_195 = arith.constant 0 : i32
      %dma_wait3A_196 = tpu.memref_slice %arg7[%add3A_178, %dma_wait3A_195] : memref<100x128xi32, #tpu.memory_space<vmem>> -> memref<1x128xi32, #tpu.memory_space<vmem>>
      %dma_wait3A_197 = tpu.memref_squeeze %dma_wait3A_196 : memref<1x128xi32, #tpu.memory_space<vmem>> -> memref<128xi32, #tpu.memory_space<vmem>>
      %dma_wait3A_198 = arith.constant 0 : i32
      %dma_wait3A_199 = arith.constant 0 : i32
      %dma_wait3A_200 = tpu.memref_slice %arg4[%dma_wait3A_198, %dma_wait3A_199] : memref<1000001x64xf32, #tpu.memory_space<hbm>> -> memref<1000001x64xf32, #tpu.memory_space<hbm>>
      tpu.wait_indirect_dma semaphore(%arg12 : memref<!tpu.dma_semaphore, #tpu.memory_space<semaphore_mem>>) src(%dma_wait3A_200 : memref<1000001x64xf32, #tpu.memory_space<hbm>>) dst(%dma_wait3A_194 : memref<128x64xf32, #tpu.memory_space<vmem>>)
      %mul3A_201 = arith.constant 128 : i32
      %mul3A_202 = arith.muli %add3A_178, %mul3A_201 : i32
      %add3A_203 = arith.addi %mul3A_6, %mul3A_202 : i32
      %run_scoped3A_204 = arith.constant 2 : i32
      "tpu.region"() ({
        %run_scoped3A_249 = tpu.sem_alloc : memref<!tpu.dma_semaphore, #tpu.memory_space<semaphore_mem>>
        %dma_start3A_250 = arith.constant 0 : i32
        %dma_start3A_251 = arith.constant 0 : i32
        %dma_start3A_252 = tpu.memref_slice %arg8[%run_scoped3A_204, %dma_start3A_250, %dma_start3A_251] : memref<4x128x64xf32, #tpu.memory_space<vmem>> -> memref<1x128x64xf32, #tpu.memory_space<vmem>>
        %dma_start3A_253 = tpu.memref_squeeze %dma_start3A_252 : memref<1x128x64xf32, #tpu.memory_space<vmem>> -> memref<128x64xf32, #tpu.memory_space<vmem>>
        %dma_start3A_254 = arith.constant 0 : i32
        %dma_start3A_255 = tpu.memref_slice %arg5[%add3A_203, %dma_start3A_254] : memref<409600x128xf32, #tpu.memory_space<hbm>> -> memref<128x64xf32, #tpu.memory_space<hbm>>
        %dma_start3A_256 = arith.constant 0 : i32
        %dma_start3A_257 = tpu.memref_slice %arg5[%add3A_203, %dma_start3A_256] : memref<409600x128xf32, #tpu.memory_space<hbm>> -> memref<128x64xf32, #tpu.memory_space<hbm>>
        %dma_start3A_258 = arith.constant 0 : i32
        %dma_start3A_259 = arith.constant 0 : i32
        %dma_start3A_260 = tpu.memref_slice %arg8[%run_scoped3A_204, %dma_start3A_258, %dma_start3A_259] : memref<4x128x64xf32, #tpu.memory_space<vmem>> -> memref<1x128x64xf32, #tpu.memory_space<vmem>>
        %dma_start3A_261 = tpu.memref_squeeze %dma_start3A_260 : memref<1x128x64xf32, #tpu.memory_space<vmem>> -> memref<128x64xf32, #tpu.memory_space<vmem>>
        tpu.enqueue_dma source(%dma_start3A_261 : memref<128x64xf32, #tpu.memory_space<vmem>>) target(%dma_start3A_257 : memref<128x64xf32, #tpu.memory_space<hbm>>) target_semaphore(%run_scoped3A_249 : memref<!tpu.dma_semaphore, #tpu.memory_space<semaphore_mem>>)
        %dma_wait3A_262 = arith.constant 0 : i32
        %dma_wait3A_263 = arith.constant 0 : i32
        %dma_wait3A_264 = tpu.memref_slice %arg8[%run_scoped3A_204, %dma_wait3A_262, %dma_wait3A_263] : memref<4x128x64xf32, #tpu.memory_space<vmem>> -> memref<1x128x64xf32, #tpu.memory_space<vmem>>
        %dma_wait3A_265 = tpu.memref_squeeze %dma_wait3A_264 : memref<1x128x64xf32, #tpu.memory_space<vmem>> -> memref<128x64xf32, #tpu.memory_space<vmem>>
        %dma_wait3A_266 = arith.constant 0 : i32
        %dma_wait3A_267 = tpu.memref_slice %arg5[%add3A_203, %dma_wait3A_266] : memref<409600x128xf32, #tpu.memory_space<hbm>> -> memref<128x64xf32, #tpu.memory_space<hbm>>
        %dma_wait3A_268 = arith.constant 0 : i32
        %dma_wait3A_269 = tpu.memref_slice %arg5[%add3A_203, %dma_wait3A_268] : memref<409600x128xf32, #tpu.memory_space<hbm>> -> memref<128x64xf32, #tpu.memory_space<hbm>>
        %dma_wait3A_270 = arith.constant 0 : i32
        %dma_wait3A_271 = arith.constant 0 : i32
        %dma_wait3A_272 = tpu.memref_slice %arg8[%run_scoped3A_204, %dma_wait3A_270, %dma_wait3A_271] : memref<4x128x64xf32, #tpu.memory_space<vmem>> -> memref<1x128x64xf32, #tpu.memory_space<vmem>>
        %dma_wait3A_273 = tpu.memref_squeeze %dma_wait3A_272 : memref<1x128x64xf32, #tpu.memory_space<vmem>> -> memref<128x64xf32, #tpu.memory_space<vmem>>
        tpu.wait_dma2 semaphore(%run_scoped3A_249 : memref<!tpu.dma_semaphore, #tpu.memory_space<semaphore_mem>>) src(%dma_wait3A_273 : memref<128x64xf32, #tpu.memory_space<vmem>>) dst(%dma_wait3A_269 : memref<128x64xf32, #tpu.memory_space<hbm>>)
        tpu.yield
      }) : () -> ()
      %run_scoped3A_205 = arith.constant 2 : i32
      "tpu.region"() ({
        %run_scoped3A_249 = tpu.sem_alloc : memref<!tpu.dma_semaphore, #tpu.memory_space<semaphore_mem>>
        %dma_start3A_250 = arith.constant 0 : i32
        %dma_start3A_251 = arith.constant 0 : i32
        %dma_start3A_252 = tpu.memref_slice %arg9[%run_scoped3A_205, %dma_start3A_250, %dma_start3A_251] : memref<4x128x64xf32, #tpu.memory_space<vmem>> -> memref<1x128x64xf32, #tpu.memory_space<vmem>>
        %dma_start3A_253 = tpu.memref_squeeze %dma_start3A_252 : memref<1x128x64xf32, #tpu.memory_space<vmem>> -> memref<128x64xf32, #tpu.memory_space<vmem>>
        %dma_start3A_254 = arith.constant 64 : i32
        %dma_start3A_255 = tpu.memref_slice %arg5[%add3A_203, %dma_start3A_254] : memref<409600x128xf32, #tpu.memory_space<hbm>> -> memref<128x64xf32, #tpu.memory_space<hbm>>
        %dma_start3A_256 = arith.constant 64 : i32
        %dma_start3A_257 = tpu.memref_slice %arg5[%add3A_203, %dma_start3A_256] : memref<409600x128xf32, #tpu.memory_space<hbm>> -> memref<128x64xf32, #tpu.memory_space<hbm>>
        %dma_start3A_258 = arith.constant 0 : i32
        %dma_start3A_259 = arith.constant 0 : i32
        %dma_start3A_260 = tpu.memref_slice %arg9[%run_scoped3A_205, %dma_start3A_258, %dma_start3A_259] : memref<4x128x64xf32, #tpu.memory_space<vmem>> -> memref<1x128x64xf32, #tpu.memory_space<vmem>>
        %dma_start3A_261 = tpu.memref_squeeze %dma_start3A_260 : memref<1x128x64xf32, #tpu.memory_space<vmem>> -> memref<128x64xf32, #tpu.memory_space<vmem>>
        tpu.enqueue_dma source(%dma_start3A_261 : memref<128x64xf32, #tpu.memory_space<vmem>>) target(%dma_start3A_257 : memref<128x64xf32, #tpu.memory_space<hbm>>) target_semaphore(%run_scoped3A_249 : memref<!tpu.dma_semaphore, #tpu.memory_space<semaphore_mem>>)
        %dma_wait3A_262 = arith.constant 0 : i32
        %dma_wait3A_263 = arith.constant 0 : i32
        %dma_wait3A_264 = tpu.memref_slice %arg9[%run_scoped3A_205, %dma_wait3A_262, %dma_wait3A_263] : memref<4x128x64xf32, #tpu.memory_space<vmem>> -> memref<1x128x64xf32, #tpu.memory_space<vmem>>
        %dma_wait3A_265 = tpu.memref_squeeze %dma_wait3A_264 : memref<1x128x64xf32, #tpu.memory_space<vmem>> -> memref<128x64xf32, #tpu.memory_space<vmem>>
        %dma_wait3A_266 = arith.constant 64 : i32
        %dma_wait3A_267 = tpu.memref_slice %arg5[%add3A_203, %dma_wait3A_266] : memref<409600x128xf32, #tpu.memory_space<hbm>> -> memref<128x64xf32, #tpu.memory_space<hbm>>
        %dma_wait3A_268 = arith.constant 64 : i32
        %dma_wait3A_269 = tpu.memref_slice %arg5[%add3A_203, %dma_wait3A_268] : memref<409600x128xf32, #tpu.memory_space<hbm>> -> memref<128x64xf32, #tpu.memory_space<hbm>>
        %dma_wait3A_270 = arith.constant 0 : i32
        %dma_wait3A_271 = arith.constant 0 : i32
        %dma_wait3A_272 = tpu.memref_slice %arg9[%run_scoped3A_205, %dma_wait3A_270, %dma_wait3A_271] : memref<4x128x64xf32, #tpu.memory_space<vmem>> -> memref<1x128x64xf32, #tpu.memory_space<vmem>>
        %dma_wait3A_273 = tpu.memref_squeeze %dma_wait3A_272 : memref<1x128x64xf32, #tpu.memory_space<vmem>> -> memref<128x64xf32, #tpu.memory_space<vmem>>
        tpu.wait_dma2 semaphore(%run_scoped3A_249 : memref<!tpu.dma_semaphore, #tpu.memory_space<semaphore_mem>>) src(%dma_wait3A_273 : memref<128x64xf32, #tpu.memory_space<vmem>>) dst(%dma_wait3A_269 : memref<128x64xf32, #tpu.memory_space<hbm>>)
        tpu.yield
      }) : () -> ()
      %add3A_206 = arith.constant 4 : i32
      %add3A_207 = arith.addi %add3A_178, %add3A_206 : i32
      %lt3A_208 = arith.constant 100 : i32
      %lt3A_209 = arith.cmpi slt, %add3A_207, %lt3A_208 : i32
      %convert_element_type3A_210 = arith.extui %lt3A_209 : i1 to i32
      %cond3A_211 = arith.constant 0 : i32
      %cond3A_212 = arith.cmpi ne, %convert_element_type3A_210, %cond3A_211 : i32
      scf.if %cond3A_212 {
        %add3A_249 = arith.constant 4 : i32
        %add3A_250 = arith.addi %add3A_178, %add3A_249 : i32
        %dma_start3A_251 = arith.constant 2 : i32
        %dma_start3A_252 = arith.constant 0 : i32
        %dma_start3A_253 = arith.constant 0 : i32
        %dma_start3A_254 = tpu.memref_slice %arg8[%dma_start3A_251, %dma_start3A_252, %dma_start3A_253] : memref<4x128x64xf32, #tpu.memory_space<vmem>> -> memref<1x128x64xf32, #tpu.memory_space<vmem>>
        %dma_start3A_255 = tpu.memref_squeeze %dma_start3A_254 : memref<1x128x64xf32, #tpu.memory_space<vmem>> -> memref<128x64xf32, #tpu.memory_space<vmem>>
        %dma_start3A_256 = arith.constant 0 : i32
        %dma_start3A_257 = tpu.memref_slice %arg6[%add3A_250, %dma_start3A_256] : memref<100x128xi32, #tpu.memory_space<vmem>> -> memref<1x128xi32, #tpu.memory_space<vmem>>
        %dma_start3A_258 = tpu.memref_squeeze %dma_start3A_257 : memref<1x128xi32, #tpu.memory_space<vmem>> -> memref<128xi32, #tpu.memory_space<vmem>>
        %dma_start3A_259 = arith.constant 0 : i32
        %dma_start3A_260 = arith.constant 0 : i32
        %dma_start3A_261 = tpu.memref_slice %arg4[%dma_start3A_259, %dma_start3A_260] : memref<1000001x64xf32, #tpu.memory_space<hbm>> -> memref<1000001x64xf32, #tpu.memory_space<hbm>>
        tpu.enqueue_indirect_dma source(%dma_start3A_261 : memref<1000001x64xf32, #tpu.memory_space<hbm>>) target(%dma_start3A_255 : memref<128x64xf32, #tpu.memory_space<vmem>>) offsets(%dma_start3A_258 : memref<128xi32, #tpu.memory_space<vmem>>) semaphore(%arg12 : memref<!tpu.dma_semaphore, #tpu.memory_space<semaphore_mem>>)
        %dma_start3A_262 = arith.constant 2 : i32
        %dma_start3A_263 = arith.constant 0 : i32
        %dma_start3A_264 = arith.constant 0 : i32
        %dma_start3A_265 = tpu.memref_slice %arg9[%dma_start3A_262, %dma_start3A_263, %dma_start3A_264] : memref<4x128x64xf32, #tpu.memory_space<vmem>> -> memref<1x128x64xf32, #tpu.memory_space<vmem>>
        %dma_start3A_266 = tpu.memref_squeeze %dma_start3A_265 : memref<1x128x64xf32, #tpu.memory_space<vmem>> -> memref<128x64xf32, #tpu.memory_space<vmem>>
        %dma_start3A_267 = arith.constant 0 : i32
        %dma_start3A_268 = tpu.memref_slice %arg7[%add3A_250, %dma_start3A_267] : memref<100x128xi32, #tpu.memory_space<vmem>> -> memref<1x128xi32, #tpu.memory_space<vmem>>
        %dma_start3A_269 = tpu.memref_squeeze %dma_start3A_268 : memref<1x128xi32, #tpu.memory_space<vmem>> -> memref<128xi32, #tpu.memory_space<vmem>>
        %dma_start3A_270 = arith.constant 0 : i32
        %dma_start3A_271 = arith.constant 0 : i32
        %dma_start3A_272 = tpu.memref_slice %arg4[%dma_start3A_270, %dma_start3A_271] : memref<1000001x64xf32, #tpu.memory_space<hbm>> -> memref<1000001x64xf32, #tpu.memory_space<hbm>>
        tpu.enqueue_indirect_dma source(%dma_start3A_272 : memref<1000001x64xf32, #tpu.memory_space<hbm>>) target(%dma_start3A_266 : memref<128x64xf32, #tpu.memory_space<vmem>>) offsets(%dma_start3A_269 : memref<128xi32, #tpu.memory_space<vmem>>) semaphore(%arg12 : memref<!tpu.dma_semaphore, #tpu.memory_space<semaphore_mem>>)
      } else {
      }
      %add3A_213 = arith.constant 3 : i32
      %add3A_214 = arith.addi %mul3A_109, %add3A_213 : i32
      %dma_wait3A_215 = arith.constant 3 : i32
      %dma_wait3A_216 = arith.constant 0 : i32
      %dma_wait3A_217 = arith.constant 0 : i32
      %dma_wait3A_218 = tpu.memref_slice %arg8[%dma_wait3A_215, %dma_wait3A_216, %dma_wait3A_217] : memref<4x128x64xf32, #tpu.memory_space<vmem>> -> memref<1x128x64xf32, #tpu.memory_space<vmem>>
      %dma_wait3A_219 = tpu.memref_squeeze %dma_wait3A_218 : memref<1x128x64xf32, #tpu.memory_space<vmem>> -> memref<128x64xf32, #tpu.memory_space<vmem>>
      %dma_wait3A_220 = arith.constant 0 : i32
      %dma_wait3A_221 = tpu.memref_slice %arg6[%add3A_214, %dma_wait3A_220] : memref<100x128xi32, #tpu.memory_space<vmem>> -> memref<1x128xi32, #tpu.memory_space<vmem>>
      %dma_wait3A_222 = tpu.memref_squeeze %dma_wait3A_221 : memref<1x128xi32, #tpu.memory_space<vmem>> -> memref<128xi32, #tpu.memory_space<vmem>>
      %dma_wait3A_223 = arith.constant 0 : i32
      %dma_wait3A_224 = arith.constant 0 : i32
      %dma_wait3A_225 = tpu.memref_slice %arg4[%dma_wait3A_223, %dma_wait3A_224] : memref<1000001x64xf32, #tpu.memory_space<hbm>> -> memref<1000001x64xf32, #tpu.memory_space<hbm>>
      tpu.wait_indirect_dma semaphore(%arg13 : memref<!tpu.dma_semaphore, #tpu.memory_space<semaphore_mem>>) src(%dma_wait3A_225 : memref<1000001x64xf32, #tpu.memory_space<hbm>>) dst(%dma_wait3A_219 : memref<128x64xf32, #tpu.memory_space<vmem>>)
      %dma_wait3A_226 = arith.constant 3 : i32
      %dma_wait3A_227 = arith.constant 0 : i32
      %dma_wait3A_228 = arith.constant 0 : i32
      %dma_wait3A_229 = tpu.memref_slice %arg9[%dma_wait3A_226, %dma_wait3A_227, %dma_wait3A_228] : memref<4x128x64xf32, #tpu.memory_space<vmem>> -> memref<1x128x64xf32, #tpu.memory_space<vmem>>
      %dma_wait3A_230 = tpu.memref_squeeze %dma_wait3A_229 : memref<1x128x64xf32, #tpu.memory_space<vmem>> -> memref<128x64xf32, #tpu.memory_space<vmem>>
      %dma_wait3A_231 = arith.constant 0 : i32
      %dma_wait3A_232 = tpu.memref_slice %arg7[%add3A_214, %dma_wait3A_231] : memref<100x128xi32, #tpu.memory_space<vmem>> -> memref<1x128xi32, #tpu.memory_space<vmem>>
      %dma_wait3A_233 = tpu.memref_squeeze %dma_wait3A_232 : memref<1x128xi32, #tpu.memory_space<vmem>> -> memref<128xi32, #tpu.memory_space<vmem>>
      %dma_wait3A_234 = arith.constant 0 : i32
      %dma_wait3A_235 = arith.constant 0 : i32
      %dma_wait3A_236 = tpu.memref_slice %arg4[%dma_wait3A_234, %dma_wait3A_235] : memref<1000001x64xf32, #tpu.memory_space<hbm>> -> memref<1000001x64xf32, #tpu.memory_space<hbm>>
      tpu.wait_indirect_dma semaphore(%arg13 : memref<!tpu.dma_semaphore, #tpu.memory_space<semaphore_mem>>) src(%dma_wait3A_236 : memref<1000001x64xf32, #tpu.memory_space<hbm>>) dst(%dma_wait3A_230 : memref<128x64xf32, #tpu.memory_space<vmem>>)
      %mul3A_237 = arith.constant 128 : i32
      %mul3A_238 = arith.muli %add3A_214, %mul3A_237 : i32
      %add3A_239 = arith.addi %mul3A_6, %mul3A_238 : i32
      %run_scoped3A_240 = arith.constant 3 : i32
      "tpu.region"() ({
        %run_scoped3A_249 = tpu.sem_alloc : memref<!tpu.dma_semaphore, #tpu.memory_space<semaphore_mem>>
        %dma_start3A_250 = arith.constant 0 : i32
        %dma_start3A_251 = arith.constant 0 : i32
        %dma_start3A_252 = tpu.memref_slice %arg8[%run_scoped3A_240, %dma_start3A_250, %dma_start3A_251] : memref<4x128x64xf32, #tpu.memory_space<vmem>> -> memref<1x128x64xf32, #tpu.memory_space<vmem>>
        %dma_start3A_253 = tpu.memref_squeeze %dma_start3A_252 : memref<1x128x64xf32, #tpu.memory_space<vmem>> -> memref<128x64xf32, #tpu.memory_space<vmem>>
        %dma_start3A_254 = arith.constant 0 : i32
        %dma_start3A_255 = tpu.memref_slice %arg5[%add3A_239, %dma_start3A_254] : memref<409600x128xf32, #tpu.memory_space<hbm>> -> memref<128x64xf32, #tpu.memory_space<hbm>>
        %dma_start3A_256 = arith.constant 0 : i32
        %dma_start3A_257 = tpu.memref_slice %arg5[%add3A_239, %dma_start3A_256] : memref<409600x128xf32, #tpu.memory_space<hbm>> -> memref<128x64xf32, #tpu.memory_space<hbm>>
        %dma_start3A_258 = arith.constant 0 : i32
        %dma_start3A_259 = arith.constant 0 : i32
        %dma_start3A_260 = tpu.memref_slice %arg8[%run_scoped3A_240, %dma_start3A_258, %dma_start3A_259] : memref<4x128x64xf32, #tpu.memory_space<vmem>> -> memref<1x128x64xf32, #tpu.memory_space<vmem>>
        %dma_start3A_261 = tpu.memref_squeeze %dma_start3A_260 : memref<1x128x64xf32, #tpu.memory_space<vmem>> -> memref<128x64xf32, #tpu.memory_space<vmem>>
        tpu.enqueue_dma source(%dma_start3A_261 : memref<128x64xf32, #tpu.memory_space<vmem>>) target(%dma_start3A_257 : memref<128x64xf32, #tpu.memory_space<hbm>>) target_semaphore(%run_scoped3A_249 : memref<!tpu.dma_semaphore, #tpu.memory_space<semaphore_mem>>)
        %dma_wait3A_262 = arith.constant 0 : i32
        %dma_wait3A_263 = arith.constant 0 : i32
        %dma_wait3A_264 = tpu.memref_slice %arg8[%run_scoped3A_240, %dma_wait3A_262, %dma_wait3A_263] : memref<4x128x64xf32, #tpu.memory_space<vmem>> -> memref<1x128x64xf32, #tpu.memory_space<vmem>>
        %dma_wait3A_265 = tpu.memref_squeeze %dma_wait3A_264 : memref<1x128x64xf32, #tpu.memory_space<vmem>> -> memref<128x64xf32, #tpu.memory_space<vmem>>
        %dma_wait3A_266 = arith.constant 0 : i32
        %dma_wait3A_267 = tpu.memref_slice %arg5[%add3A_239, %dma_wait3A_266] : memref<409600x128xf32, #tpu.memory_space<hbm>> -> memref<128x64xf32, #tpu.memory_space<hbm>>
        %dma_wait3A_268 = arith.constant 0 : i32
        %dma_wait3A_269 = tpu.memref_slice %arg5[%add3A_239, %dma_wait3A_268] : memref<409600x128xf32, #tpu.memory_space<hbm>> -> memref<128x64xf32, #tpu.memory_space<hbm>>
        %dma_wait3A_270 = arith.constant 0 : i32
        %dma_wait3A_271 = arith.constant 0 : i32
        %dma_wait3A_272 = tpu.memref_slice %arg8[%run_scoped3A_240, %dma_wait3A_270, %dma_wait3A_271] : memref<4x128x64xf32, #tpu.memory_space<vmem>> -> memref<1x128x64xf32, #tpu.memory_space<vmem>>
        %dma_wait3A_273 = tpu.memref_squeeze %dma_wait3A_272 : memref<1x128x64xf32, #tpu.memory_space<vmem>> -> memref<128x64xf32, #tpu.memory_space<vmem>>
        tpu.wait_dma2 semaphore(%run_scoped3A_249 : memref<!tpu.dma_semaphore, #tpu.memory_space<semaphore_mem>>) src(%dma_wait3A_273 : memref<128x64xf32, #tpu.memory_space<vmem>>) dst(%dma_wait3A_269 : memref<128x64xf32, #tpu.memory_space<hbm>>)
        tpu.yield
      }) : () -> ()
      %run_scoped3A_241 = arith.constant 3 : i32
      "tpu.region"() ({
        %run_scoped3A_249 = tpu.sem_alloc : memref<!tpu.dma_semaphore, #tpu.memory_space<semaphore_mem>>
        %dma_start3A_250 = arith.constant 0 : i32
        %dma_start3A_251 = arith.constant 0 : i32
        %dma_start3A_252 = tpu.memref_slice %arg9[%run_scoped3A_241, %dma_start3A_250, %dma_start3A_251] : memref<4x128x64xf32, #tpu.memory_space<vmem>> -> memref<1x128x64xf32, #tpu.memory_space<vmem>>
        %dma_start3A_253 = tpu.memref_squeeze %dma_start3A_252 : memref<1x128x64xf32, #tpu.memory_space<vmem>> -> memref<128x64xf32, #tpu.memory_space<vmem>>
        %dma_start3A_254 = arith.constant 64 : i32
        %dma_start3A_255 = tpu.memref_slice %arg5[%add3A_239, %dma_start3A_254] : memref<409600x128xf32, #tpu.memory_space<hbm>> -> memref<128x64xf32, #tpu.memory_space<hbm>>
        %dma_start3A_256 = arith.constant 64 : i32
        %dma_start3A_257 = tpu.memref_slice %arg5[%add3A_239, %dma_start3A_256] : memref<409600x128xf32, #tpu.memory_space<hbm>> -> memref<128x64xf32, #tpu.memory_space<hbm>>
        %dma_start3A_258 = arith.constant 0 : i32
        %dma_start3A_259 = arith.constant 0 : i32
        %dma_start3A_260 = tpu.memref_slice %arg9[%run_scoped3A_241, %dma_start3A_258, %dma_start3A_259] : memref<4x128x64xf32, #tpu.memory_space<vmem>> -> memref<1x128x64xf32, #tpu.memory_space<vmem>>
        %dma_start3A_261 = tpu.memref_squeeze %dma_start3A_260 : memref<1x128x64xf32, #tpu.memory_space<vmem>> -> memref<128x64xf32, #tpu.memory_space<vmem>>
        tpu.enqueue_dma source(%dma_start3A_261 : memref<128x64xf32, #tpu.memory_space<vmem>>) target(%dma_start3A_257 : memref<128x64xf32, #tpu.memory_space<hbm>>) target_semaphore(%run_scoped3A_249 : memref<!tpu.dma_semaphore, #tpu.memory_space<semaphore_mem>>)
        %dma_wait3A_262 = arith.constant 0 : i32
        %dma_wait3A_263 = arith.constant 0 : i32
        %dma_wait3A_264 = tpu.memref_slice %arg9[%run_scoped3A_241, %dma_wait3A_262, %dma_wait3A_263] : memref<4x128x64xf32, #tpu.memory_space<vmem>> -> memref<1x128x64xf32, #tpu.memory_space<vmem>>
        %dma_wait3A_265 = tpu.memref_squeeze %dma_wait3A_264 : memref<1x128x64xf32, #tpu.memory_space<vmem>> -> memref<128x64xf32, #tpu.memory_space<vmem>>
        %dma_wait3A_266 = arith.constant 64 : i32
        %dma_wait3A_267 = tpu.memref_slice %arg5[%add3A_239, %dma_wait3A_266] : memref<409600x128xf32, #tpu.memory_space<hbm>> -> memref<128x64xf32, #tpu.memory_space<hbm>>
        %dma_wait3A_268 = arith.constant 64 : i32
        %dma_wait3A_269 = tpu.memref_slice %arg5[%add3A_239, %dma_wait3A_268] : memref<409600x128xf32, #tpu.memory_space<hbm>> -> memref<128x64xf32, #tpu.memory_space<hbm>>
        %dma_wait3A_270 = arith.constant 0 : i32
        %dma_wait3A_271 = arith.constant 0 : i32
        %dma_wait3A_272 = tpu.memref_slice %arg9[%run_scoped3A_241, %dma_wait3A_270, %dma_wait3A_271] : memref<4x128x64xf32, #tpu.memory_space<vmem>> -> memref<1x128x64xf32, #tpu.memory_space<vmem>>
        %dma_wait3A_273 = tpu.memref_squeeze %dma_wait3A_272 : memref<1x128x64xf32, #tpu.memory_space<vmem>> -> memref<128x64xf32, #tpu.memory_space<vmem>>
        tpu.wait_dma2 semaphore(%run_scoped3A_249 : memref<!tpu.dma_semaphore, #tpu.memory_space<semaphore_mem>>) src(%dma_wait3A_273 : memref<128x64xf32, #tpu.memory_space<vmem>>) dst(%dma_wait3A_269 : memref<128x64xf32, #tpu.memory_space<hbm>>)
        tpu.yield
      }) : () -> ()
      %add3A_242 = arith.constant 4 : i32
      %add3A_243 = arith.addi %add3A_214, %add3A_242 : i32
      %lt3A_244 = arith.constant 100 : i32
      %lt3A_245 = arith.cmpi slt, %add3A_243, %lt3A_244 : i32
      %convert_element_type3A_246 = arith.extui %lt3A_245 : i1 to i32
      %cond3A_247 = arith.constant 0 : i32
      %cond3A_248 = arith.cmpi ne, %convert_element_type3A_246, %cond3A_247 : i32
      scf.if %cond3A_248 {
        %add3A_249 = arith.constant 4 : i32
        %add3A_250 = arith.addi %add3A_214, %add3A_249 : i32
        %dma_start3A_251 = arith.constant 3 : i32
        %dma_start3A_252 = arith.constant 0 : i32
        %dma_start3A_253 = arith.constant 0 : i32
        %dma_start3A_254 = tpu.memref_slice %arg8[%dma_start3A_251, %dma_start3A_252, %dma_start3A_253] : memref<4x128x64xf32, #tpu.memory_space<vmem>> -> memref<1x128x64xf32, #tpu.memory_space<vmem>>
        %dma_start3A_255 = tpu.memref_squeeze %dma_start3A_254 : memref<1x128x64xf32, #tpu.memory_space<vmem>> -> memref<128x64xf32, #tpu.memory_space<vmem>>
        %dma_start3A_256 = arith.constant 0 : i32
        %dma_start3A_257 = tpu.memref_slice %arg6[%add3A_250, %dma_start3A_256] : memref<100x128xi32, #tpu.memory_space<vmem>> -> memref<1x128xi32, #tpu.memory_space<vmem>>
        %dma_start3A_258 = tpu.memref_squeeze %dma_start3A_257 : memref<1x128xi32, #tpu.memory_space<vmem>> -> memref<128xi32, #tpu.memory_space<vmem>>
        %dma_start3A_259 = arith.constant 0 : i32
        %dma_start3A_260 = arith.constant 0 : i32
        %dma_start3A_261 = tpu.memref_slice %arg4[%dma_start3A_259, %dma_start3A_260] : memref<1000001x64xf32, #tpu.memory_space<hbm>> -> memref<1000001x64xf32, #tpu.memory_space<hbm>>
        tpu.enqueue_indirect_dma source(%dma_start3A_261 : memref<1000001x64xf32, #tpu.memory_space<hbm>>) target(%dma_start3A_255 : memref<128x64xf32, #tpu.memory_space<vmem>>) offsets(%dma_start3A_258 : memref<128xi32, #tpu.memory_space<vmem>>) semaphore(%arg13 : memref<!tpu.dma_semaphore, #tpu.memory_space<semaphore_mem>>)
        %dma_start3A_262 = arith.constant 3 : i32
        %dma_start3A_263 = arith.constant 0 : i32
        %dma_start3A_264 = arith.constant 0 : i32
        %dma_start3A_265 = tpu.memref_slice %arg9[%dma_start3A_262, %dma_start3A_263, %dma_start3A_264] : memref<4x128x64xf32, #tpu.memory_space<vmem>> -> memref<1x128x64xf32, #tpu.memory_space<vmem>>
        %dma_start3A_266 = tpu.memref_squeeze %dma_start3A_265 : memref<1x128x64xf32, #tpu.memory_space<vmem>> -> memref<128x64xf32, #tpu.memory_space<vmem>>
        %dma_start3A_267 = arith.constant 0 : i32
        %dma_start3A_268 = tpu.memref_slice %arg7[%add3A_250, %dma_start3A_267] : memref<100x128xi32, #tpu.memory_space<vmem>> -> memref<1x128xi32, #tpu.memory_space<vmem>>
        %dma_start3A_269 = tpu.memref_squeeze %dma_start3A_268 : memref<1x128xi32, #tpu.memory_space<vmem>> -> memref<128xi32, #tpu.memory_space<vmem>>
        %dma_start3A_270 = arith.constant 0 : i32
        %dma_start3A_271 = arith.constant 0 : i32
        %dma_start3A_272 = tpu.memref_slice %arg4[%dma_start3A_270, %dma_start3A_271] : memref<1000001x64xf32, #tpu.memory_space<hbm>> -> memref<1000001x64xf32, #tpu.memory_space<hbm>>
        tpu.enqueue_indirect_dma source(%dma_start3A_272 : memref<1000001x64xf32, #tpu.memory_space<hbm>>) target(%dma_start3A_266 : memref<128x64xf32, #tpu.memory_space<vmem>>) offsets(%dma_start3A_269 : memref<128xi32, #tpu.memory_space<vmem>>) semaphore(%arg13 : memref<!tpu.dma_semaphore, #tpu.memory_space<semaphore_mem>>)
      } else {
      }
    }
    %scan3A_106 = arith.constant 25 : i32
    return
  }
}

module attributes {stable_mosaic.version = 14 : i64} {
  func.func @_tc_body(%arg0: i32, %arg1: memref<32x200xi32, #tpu.memory_space<vmem>>, %arg2: memref<3200x128xf32, #tpu.memory_space<vmem>>, %arg3: memref<128x128xf32, #tpu.memory_space<vmem>>, %arg4: memref<128x128xf32, #tpu.memory_space<vmem>>, %arg5: memref<128x128xf32, #tpu.memory_space<vmem>>, %arg6: memref<200x128xf32, #tpu.memory_space<vmem>>, %arg7: memref<200x128xf32, #tpu.memory_space<vmem>>, %arg8: memref<32x4096xf32, #tpu.memory_space<vmem>>, %arg9: memref<32x200x128xf32, #tpu.memory_space<vmem>>, %arg10: memref<32x200xf32, #tpu.memory_space<vmem>>) attributes {dimension_semantics = [#tpu.dimension_semantics<arbitrary>], iteration_bounds = array<i64: 128>, scalar_prefetch = 0 : i64, scratch_operands = 0 : i64, tpu.core_type = #tpu.core_type<tc>, window_params = [{transform_indices = @transform_0, window_bounds = array<i64: 32, 200>}, {transform_indices = @transform_1, window_bounds = array<i64: 3200, 128>}, {pipeline_mode = #tpu.pipeline_mode<synchronous>, transform_indices = @transform_2, window_bounds = array<i64: 128, 128>}, {pipeline_mode = #tpu.pipeline_mode<synchronous>, transform_indices = @transform_3, window_bounds = array<i64: 128, 128>}, {pipeline_mode = #tpu.pipeline_mode<synchronous>, transform_indices = @transform_4, window_bounds = array<i64: 128, 128>}, {pipeline_mode = #tpu.pipeline_mode<synchronous>, transform_indices = @transform_5, window_bounds = array<i64: 200, 128>}, {pipeline_mode = #tpu.pipeline_mode<synchronous>, transform_indices = @transform_6, window_bounds = array<i64: 200, 128>}, {pipeline_mode = #tpu.pipeline_mode<synchronous>, transform_indices = @transform_7, window_bounds = array<i64: 32, 4096>}, {transform_indices = @transform_8, window_bounds = array<i64: 32, 200, 128>}, {transform_indices = @transform_9, window_bounds = array<i64: 32, 200>}]} {
    %get3A = arith.constant 0 : index
    %get3A_0 = arith.constant 0 : index
    %get3A_1 = vector.load %arg1[%get3A, %get3A_0] : memref<32x200xi32, #tpu.memory_space<vmem>>, vector<32x200xi32>
    %ne3A = arith.constant 0 : i32
    %ne3A_2 = vector.broadcast %ne3A : i32 to vector<32x200xi32>
    %ne3A_3 = arith.cmpi ne, %get3A_1, %ne3A_2 : vector<32x200xi32>
    %jit3A = arith.constant 0.000000e+00 : f32
    %jit3A_4 = arith.constant 0xFF800000 : f32
    %broadcast_in_dim3A = vector.broadcast %jit3A : f32 to vector<32x200xf32>
    %broadcast_in_dim3A_5 = vector.broadcast %jit3A_4 : f32 to vector<32x200xf32>
    %select_n3A = arith.select %ne3A_3, %broadcast_in_dim3A, %broadcast_in_dim3A_5 : vector<32x200xi1>, vector<32x200xf32>
    %swap3A = arith.constant 0 : index
    %swap3A_6 = arith.constant 0 : index
    %swap3A_7 = vector.load %arg10[%swap3A, %swap3A_6] : memref<32x200xf32, #tpu.memory_space<vmem>>, vector<32x200xf32>
    tpu.vector_store %arg10[%swap3A, %swap3A_6], %select_n3A {strides = array<i32>} : memref<32x200xf32, #tpu.memory_space<vmem>>, vector<32x200xf32>,
    %convert_element_type3A = arith.sitofp %get3A_1 : vector<32x200xi32> to vector<32x200xf32>
    %transpose3A = tpu.transpose %convert_element_type3A, [1, 0] : vector<32x200xf32> -> vector<200x32xf32>
    %get3A_8 = arith.constant 0 : index
    %get3A_9 = arith.constant 0 : index
    %get3A_10 = vector.load %arg8[%get3A_8, %get3A_9] : memref<32x4096xf32, #tpu.memory_space<vmem>>, vector<32x4096xf32>
    %dot_general3A = arith.constant dense<0.000000e+00> : vector<200x4096xf32>
    %dot_general3A_11 = tpu.matmul %transpose3A, %get3A_10, %dot_general3A {dimension_numbers = #tpu.dot_dimension_numbers<[1], [0], [0], [1], [0, 0, 1, 1], [], []>, transpose_lhs_hint = false} : vector<200x32xf32>, vector<32x4096xf32>, vector<200x4096xf32> -> vector<200x4096xf32>
    %get3A_12 = arith.constant 0 : index
    %get3A_13 = arith.constant 0 : index
    %get3A_14 = vector.load %arg7[%get3A_12, %get3A_13] : memref<200x128xf32, #tpu.memory_space<vmem>>, vector<200x128xf32>
    %get3A_15 = arith.constant 0 : index
    %get3A_16 = arith.constant 0 : index
    %get3A_17 = vector.load %arg2[%get3A_15, %get3A_16] : memref<3200x128xf32, #tpu.memory_space<vmem>>, vector<3200x128xf32>
    %get3A_18 = arith.constant 0 : index
    %get3A_19 = arith.constant 0 : index
    %get3A_20 = vector.load %arg4[%get3A_18, %get3A_19] : memref<128x128xf32, #tpu.memory_space<vmem>>, vector<128x128xf32>
    %dot_general3A_21 = arith.constant dense<0.000000e+00> : vector<3200x128xf32>
    %dot_general3A_22 = tpu.matmul %get3A_17, %get3A_20, %dot_general3A_21 {dimension_numbers = #tpu.dot_dimension_numbers<[1], [0], [0], [1], [0, 0, 1, 1], [], []>, transpose_lhs_hint = false} : vector<3200x128xf32>, vector<128x128xf32>, vector<3200x128xf32> -> vector<3200x128xf32>
    %get3A_23 = arith.constant 0 : index
    %get3A_24 = arith.constant 0 : index
    %get3A_25 = vector.load %arg5[%get3A_23, %get3A_24] : memref<128x128xf32, #tpu.memory_space<vmem>>, vector<128x128xf32>
    %dot_general3A_26 = arith.constant dense<0.000000e+00> : vector<3200x128xf32>
    %dot_general3A_27 = tpu.matmul %get3A_17, %get3A_25, %dot_general3A_26 {dimension_numbers = #tpu.dot_dimension_numbers<[1], [0], [0], [1], [0, 0, 1, 1], [], []>, transpose_lhs_hint = false} : vector<3200x128xf32>, vector<128x128xf32>, vector<3200x128xf32> -> vector<3200x128xf32>
    %get3A_28 = arith.constant 0 : index
    %get3A_29 = arith.constant 0 : index
    %get3A_30 = vector.load %arg6[%get3A_28, %get3A_29] : memref<200x128xf32, #tpu.memory_space<vmem>>, vector<200x128xf32>
    %get3A_31 = arith.constant 0 : index
    %get3A_32 = arith.constant 0 : index
    %get3A_33 = vector.load %arg3[%get3A_31, %get3A_32] : memref<128x128xf32, #tpu.memory_space<vmem>>, vector<128x128xf32>
    %slice3A = vector.extract_strided_slice %dot_general3A_11 {offsets = [0, 0], sizes = [200, 128], strides = [1, 1]} : vector<200x4096xf32> to vector<200x128xf32>
    %eq3A = arith.cmpf oeq, %slice3A, %get3A_14 : vector<200x128xf32>
    %convert_element_type3A_34 = arith.extui %eq3A : vector<200x128xi1> to vector<200x128xi32>
    %convert_element_type3A_35 = arith.sitofp %convert_element_type3A_34 : vector<200x128xi32> to vector<200x128xf32>
    %dot_general3A_36 = arith.constant dense<0.000000e+00> : vector<200x128xf32>
    %dot_general3A_37 = tpu.matmul %convert_element_type3A_35, %get3A_33, %dot_general3A_36 {dimension_numbers = #tpu.dot_dimension_numbers<[1], [0], [0], [1], [0, 0, 1, 1], [], []>, transpose_lhs_hint = false} : vector<200x128xf32>, vector<128x128xf32>, vector<200x128xf32> -> vector<200x128xf32>
    %slice3A_38 = vector.extract_strided_slice %dot_general3A_22 {offsets = [0, 0], sizes = [200, 128], strides = [1, 1]} : vector<3200x128xf32> to vector<200x128xf32>
    %slice3A_39 = vector.extract_strided_slice %dot_general3A_11 {offsets = [0, 0], sizes = [200, 128], strides = [1, 1]} : vector<200x4096xf32> to vector<200x128xf32>
    %eq3A_40 = arith.constant 1.200000e+02 : f32
    %eq3A_41 = vector.broadcast %eq3A_40 : f32 to vector<200x128xf32>
    %eq3A_42 = arith.cmpf oeq, %slice3A_39, %eq3A_41 : vector<200x128xf32>
    %add3A = arith.addf %dot_general3A_37, %get3A_30 : vector<200x128xf32>
    %jit3A_43 = arith.constant 0.000000e+00 : f32
    %broadcast_in_dim3A_44 = vector.broadcast %jit3A_43 : f32 to vector<200x128xf32>
    %select_n3A_45 = arith.select %eq3A_42, %slice3A_38, %broadcast_in_dim3A_44 : vector<200x128xi1>, vector<200x128xf32>
    %add3A_46 = arith.addf %add3A, %select_n3A_45 : vector<200x128xf32>
    %swap3A_47 = arith.constant 0 : index
    %swap3A_48 = arith.constant 0 : index
    %swap3A_49 = arith.constant 0 : index
    %swap3A_50 = vector.load %arg9[%swap3A_47, %swap3A_48, %swap3A_49] : memref<32x200x128xf32, #tpu.memory_space<vmem>>, vector<1x200x128xf32>
    %swap3A_51 = vector.shape_cast %swap3A_50 : vector<1x200x128xf32> to vector<200x128xf32>
    %swap3A_52 = vector.shape_cast %add3A_46 : vector<200x128xf32> to vector<1x200x128xf32>
    tpu.vector_store %arg9[%swap3A_47, %swap3A_48, %swap3A_49], %swap3A_52 {strides = array<i32>} : memref<32x200x128xf32, #tpu.memory_space<vmem>>, vector<1x200x128xf32>,
    %slice3A_53 = vector.extract_strided_slice %dot_general3A_11 {offsets = [0, 128], sizes = [200, 128], strides = [1, 1]} : vector<200x4096xf32> to vector<200x128xf32>
    %eq3A_54 = arith.cmpf oeq, %slice3A_53, %get3A_14 : vector<200x128xf32>
    %convert_element_type3A_55 = arith.extui %eq3A_54 : vector<200x128xi1> to vector<200x128xi32>
    %convert_element_type3A_56 = arith.sitofp %convert_element_type3A_55 : vector<200x128xi32> to vector<200x128xf32>
    %dot_general3A_57 = arith.constant dense<0.000000e+00> : vector<200x128xf32>
    %dot_general3A_58 = tpu.matmul %convert_element_type3A_56, %get3A_33, %dot_general3A_57 {dimension_numbers = #tpu.dot_dimension_numbers<[1], [0], [0], [1], [0, 0, 1, 1], [], []>, transpose_lhs_hint = false} : vector<200x128xf32>, vector<128x128xf32>, vector<200x128xf32> -> vector<200x128xf32>
    %slice3A_59 = vector.extract_strided_slice %dot_general3A_22 {offsets = [200, 0], sizes = [200, 128], strides = [1, 1]} : vector<3200x128xf32> to vector<200x128xf32>
    %slice3A_60 = vector.extract_strided_slice %dot_general3A_11 {offsets = [0, 128], sizes = [200, 128], strides = [1, 1]} : vector<200x4096xf32> to vector<200x128xf32>
    %eq3A_61 = arith.constant 1.200000e+02 : f32
    %eq3A_62 = vector.broadcast %eq3A_61 : f32 to vector<200x128xf32>
    %eq3A_63 = arith.cmpf oeq, %slice3A_60, %eq3A_62 : vector<200x128xf32>
    %add3A_64 = arith.addf %dot_general3A_58, %get3A_30 : vector<200x128xf32>
    %jit3A_65 = arith.constant 0.000000e+00 : f32
    %broadcast_in_dim3A_66 = vector.broadcast %jit3A_65 : f32 to vector<200x128xf32>
    %select_n3A_67 = arith.select %eq3A_63, %slice3A_59, %broadcast_in_dim3A_66 : vector<200x128xi1>, vector<200x128xf32>
    %add3A_68 = arith.addf %add3A_64, %select_n3A_67 : vector<200x128xf32>
    %swap3A_69 = arith.constant 1 : index
    %swap3A_70 = arith.constant 0 : index
    %swap3A_71 = arith.constant 0 : index
    %swap3A_72 = vector.load %arg9[%swap3A_69, %swap3A_70, %swap3A_71] : memref<32x200x128xf32, #tpu.memory_space<vmem>>, vector<1x200x128xf32>
    %swap3A_73 = vector.shape_cast %swap3A_72 : vector<1x200x128xf32> to vector<200x128xf32>
    %swap3A_74 = vector.shape_cast %add3A_68 : vector<200x128xf32> to vector<1x200x128xf32>
    tpu.vector_store %arg9[%swap3A_69, %swap3A_70, %swap3A_71], %swap3A_74 {strides = array<i32>} : memref<32x200x128xf32, #tpu.memory_space<vmem>>, vector<1x200x128xf32>,
    %slice3A_75 = vector.extract_strided_slice %dot_general3A_11 {offsets = [0, 256], sizes = [200, 128], strides = [1, 1]} : vector<200x4096xf32> to vector<200x128xf32>
    %eq3A_76 = arith.cmpf oeq, %slice3A_75, %get3A_14 : vector<200x128xf32>
    %convert_element_type3A_77 = arith.extui %eq3A_76 : vector<200x128xi1> to vector<200x128xi32>
    %convert_element_type3A_78 = arith.sitofp %convert_element_type3A_77 : vector<200x128xi32> to vector<200x128xf32>
    %dot_general3A_79 = arith.constant dense<0.000000e+00> : vector<200x128xf32>
    %dot_general3A_80 = tpu.matmul %convert_element_type3A_78, %get3A_33, %dot_general3A_79 {dimension_numbers = #tpu.dot_dimension_numbers<[1], [0], [0], [1], [0, 0, 1, 1], [], []>, transpose_lhs_hint = false} : vector<200x128xf32>, vector<128x128xf32>, vector<200x128xf32> -> vector<200x128xf32>
    %slice3A_81 = vector.extract_strided_slice %dot_general3A_22 {offsets = [400, 0], sizes = [200, 128], strides = [1, 1]} : vector<3200x128xf32> to vector<200x128xf32>
    %slice3A_82 = vector.extract_strided_slice %dot_general3A_11 {offsets = [0, 256], sizes = [200, 128], strides = [1, 1]} : vector<200x4096xf32> to vector<200x128xf32>
    %eq3A_83 = arith.constant 1.200000e+02 : f32
    %eq3A_84 = vector.broadcast %eq3A_83 : f32 to vector<200x128xf32>
    %eq3A_85 = arith.cmpf oeq, %slice3A_82, %eq3A_84 : vector<200x128xf32>
    %add3A_86 = arith.addf %dot_general3A_80, %get3A_30 : vector<200x128xf32>
    %jit3A_87 = arith.constant 0.000000e+00 : f32
    %broadcast_in_dim3A_88 = vector.broadcast %jit3A_87 : f32 to vector<200x128xf32>
    %select_n3A_89 = arith.select %eq3A_85, %slice3A_81, %broadcast_in_dim3A_88 : vector<200x128xi1>, vector<200x128xf32>
    %add3A_90 = arith.addf %add3A_86, %select_n3A_89 : vector<200x128xf32>
    %swap3A_91 = arith.constant 2 : index
    %swap3A_92 = arith.constant 0 : index
    %swap3A_93 = arith.constant 0 : index
    %swap3A_94 = vector.load %arg9[%swap3A_91, %swap3A_92, %swap3A_93] : memref<32x200x128xf32, #tpu.memory_space<vmem>>, vector<1x200x128xf32>
    %swap3A_95 = vector.shape_cast %swap3A_94 : vector<1x200x128xf32> to vector<200x128xf32>
    %swap3A_96 = vector.shape_cast %add3A_90 : vector<200x128xf32> to vector<1x200x128xf32>
    tpu.vector_store %arg9[%swap3A_91, %swap3A_92, %swap3A_93], %swap3A_96 {strides = array<i32>} : memref<32x200x128xf32, #tpu.memory_space<vmem>>, vector<1x200x128xf32>,
    %slice3A_97 = vector.extract_strided_slice %dot_general3A_11 {offsets = [0, 384], sizes = [200, 128], strides = [1, 1]} : vector<200x4096xf32> to vector<200x128xf32>
    %eq3A_98 = arith.cmpf oeq, %slice3A_97, %get3A_14 : vector<200x128xf32>
    %convert_element_type3A_99 = arith.extui %eq3A_98 : vector<200x128xi1> to vector<200x128xi32>
    %convert_element_type3A_100 = arith.sitofp %convert_element_type3A_99 : vector<200x128xi32> to vector<200x128xf32>
    %dot_general3A_101 = arith.constant dense<0.000000e+00> : vector<200x128xf32>
    %dot_general3A_102 = tpu.matmul %convert_element_type3A_100, %get3A_33, %dot_general3A_101 {dimension_numbers = #tpu.dot_dimension_numbers<[1], [0], [0], [1], [0, 0, 1, 1], [], []>, transpose_lhs_hint = false} : vector<200x128xf32>, vector<128x128xf32>, vector<200x128xf32> -> vector<200x128xf32>
    %slice3A_103 = vector.extract_strided_slice %dot_general3A_22 {offsets = [600, 0], sizes = [200, 128], strides = [1, 1]} : vector<3200x128xf32> to vector<200x128xf32>
    %slice3A_104 = vector.extract_strided_slice %dot_general3A_11 {offsets = [0, 384], sizes = [200, 128], strides = [1, 1]} : vector<200x4096xf32> to vector<200x128xf32>
    %eq3A_105 = arith.constant 1.200000e+02 : f32
    %eq3A_106 = vector.broadcast %eq3A_105 : f32 to vector<200x128xf32>
    %eq3A_107 = arith.cmpf oeq, %slice3A_104, %eq3A_106 : vector<200x128xf32>
    %add3A_108 = arith.addf %dot_general3A_102, %get3A_30 : vector<200x128xf32>
    %jit3A_109 = arith.constant 0.000000e+00 : f32
    %broadcast_in_dim3A_110 = vector.broadcast %jit3A_109 : f32 to vector<200x128xf32>
    %select_n3A_111 = arith.select %eq3A_107, %slice3A_103, %broadcast_in_dim3A_110 : vector<200x128xi1>, vector<200x128xf32>
    %add3A_112 = arith.addf %add3A_108, %select_n3A_111 : vector<200x128xf32>
    %swap3A_113 = arith.constant 3 : index
    %swap3A_114 = arith.constant 0 : index
    %swap3A_115 = arith.constant 0 : index
    %swap3A_116 = vector.load %arg9[%swap3A_113, %swap3A_114, %swap3A_115] : memref<32x200x128xf32, #tpu.memory_space<vmem>>, vector<1x200x128xf32>
    %swap3A_117 = vector.shape_cast %swap3A_116 : vector<1x200x128xf32> to vector<200x128xf32>
    %swap3A_118 = vector.shape_cast %add3A_112 : vector<200x128xf32> to vector<1x200x128xf32>
    tpu.vector_store %arg9[%swap3A_113, %swap3A_114, %swap3A_115], %swap3A_118 {strides = array<i32>} : memref<32x200x128xf32, #tpu.memory_space<vmem>>, vector<1x200x128xf32>,
    %slice3A_119 = vector.extract_strided_slice %dot_general3A_11 {offsets = [0, 512], sizes = [200, 128], strides = [1, 1]} : vector<200x4096xf32> to vector<200x128xf32>
    %eq3A_120 = arith.cmpf oeq, %slice3A_119, %get3A_14 : vector<200x128xf32>
    %convert_element_type3A_121 = arith.extui %eq3A_120 : vector<200x128xi1> to vector<200x128xi32>
    %convert_element_type3A_122 = arith.sitofp %convert_element_type3A_121 : vector<200x128xi32> to vector<200x128xf32>
    %dot_general3A_123 = arith.constant dense<0.000000e+00> : vector<200x128xf32>
    %dot_general3A_124 = tpu.matmul %convert_element_type3A_122, %get3A_33, %dot_general3A_123 {dimension_numbers = #tpu.dot_dimension_numbers<[1], [0], [0], [1], [0, 0, 1, 1], [], []>, transpose_lhs_hint = false} : vector<200x128xf32>, vector<128x128xf32>, vector<200x128xf32> -> vector<200x128xf32>
    %slice3A_125 = vector.extract_strided_slice %dot_general3A_22 {offsets = [800, 0], sizes = [200, 128], strides = [1, 1]} : vector<3200x128xf32> to vector<200x128xf32>
    %slice3A_126 = vector.extract_strided_slice %dot_general3A_11 {offsets = [0, 512], sizes = [200, 128], strides = [1, 1]} : vector<200x4096xf32> to vector<200x128xf32>
    %eq3A_127 = arith.constant 1.200000e+02 : f32
    %eq3A_128 = vector.broadcast %eq3A_127 : f32 to vector<200x128xf32>
    %eq3A_129 = arith.cmpf oeq, %slice3A_126, %eq3A_128 : vector<200x128xf32>
    %add3A_130 = arith.addf %dot_general3A_124, %get3A_30 : vector<200x128xf32>
    %jit3A_131 = arith.constant 0.000000e+00 : f32
    %broadcast_in_dim3A_132 = vector.broadcast %jit3A_131 : f32 to vector<200x128xf32>
    %select_n3A_133 = arith.select %eq3A_129, %slice3A_125, %broadcast_in_dim3A_132 : vector<200x128xi1>, vector<200x128xf32>
    %add3A_134 = arith.addf %add3A_130, %select_n3A_133 : vector<200x128xf32>
    %swap3A_135 = arith.constant 4 : index
    %swap3A_136 = arith.constant 0 : index
    %swap3A_137 = arith.constant 0 : index
    %swap3A_138 = vector.load %arg9[%swap3A_135, %swap3A_136, %swap3A_137] : memref<32x200x128xf32, #tpu.memory_space<vmem>>, vector<1x200x128xf32>
    %swap3A_139 = vector.shape_cast %swap3A_138 : vector<1x200x128xf32> to vector<200x128xf32>
    %swap3A_140 = vector.shape_cast %add3A_134 : vector<200x128xf32> to vector<1x200x128xf32>
    tpu.vector_store %arg9[%swap3A_135, %swap3A_136, %swap3A_137], %swap3A_140 {strides = array<i32>} : memref<32x200x128xf32, #tpu.memory_space<vmem>>, vector<1x200x128xf32>,
    %slice3A_141 = vector.extract_strided_slice %dot_general3A_11 {offsets = [0, 640], sizes = [200, 128], strides = [1, 1]} : vector<200x4096xf32> to vector<200x128xf32>
    %eq3A_142 = arith.cmpf oeq, %slice3A_141, %get3A_14 : vector<200x128xf32>
    %convert_element_type3A_143 = arith.extui %eq3A_142 : vector<200x128xi1> to vector<200x128xi32>
    %convert_element_type3A_144 = arith.sitofp %convert_element_type3A_143 : vector<200x128xi32> to vector<200x128xf32>
    %dot_general3A_145 = arith.constant dense<0.000000e+00> : vector<200x128xf32>
    %dot_general3A_146 = tpu.matmul %convert_element_type3A_144, %get3A_33, %dot_general3A_145 {dimension_numbers = #tpu.dot_dimension_numbers<[1], [0], [0], [1], [0, 0, 1, 1], [], []>, transpose_lhs_hint = false} : vector<200x128xf32>, vector<128x128xf32>, vector<200x128xf32> -> vector<200x128xf32>
    %slice3A_147 = vector.extract_strided_slice %dot_general3A_22 {offsets = [1000, 0], sizes = [200, 128], strides = [1, 1]} : vector<3200x128xf32> to vector<200x128xf32>
    %slice3A_148 = vector.extract_strided_slice %dot_general3A_11 {offsets = [0, 640], sizes = [200, 128], strides = [1, 1]} : vector<200x4096xf32> to vector<200x128xf32>
    %eq3A_149 = arith.constant 1.200000e+02 : f32
    %eq3A_150 = vector.broadcast %eq3A_149 : f32 to vector<200x128xf32>
    %eq3A_151 = arith.cmpf oeq, %slice3A_148, %eq3A_150 : vector<200x128xf32>
    %add3A_152 = arith.addf %dot_general3A_146, %get3A_30 : vector<200x128xf32>
    %jit3A_153 = arith.constant 0.000000e+00 : f32
    %broadcast_in_dim3A_154 = vector.broadcast %jit3A_153 : f32 to vector<200x128xf32>
    %select_n3A_155 = arith.select %eq3A_151, %slice3A_147, %broadcast_in_dim3A_154 : vector<200x128xi1>, vector<200x128xf32>
    %add3A_156 = arith.addf %add3A_152, %select_n3A_155 : vector<200x128xf32>
    %swap3A_157 = arith.constant 5 : index
    %swap3A_158 = arith.constant 0 : index
    %swap3A_159 = arith.constant 0 : index
    %swap3A_160 = vector.load %arg9[%swap3A_157, %swap3A_158, %swap3A_159] : memref<32x200x128xf32, #tpu.memory_space<vmem>>, vector<1x200x128xf32>
    %swap3A_161 = vector.shape_cast %swap3A_160 : vector<1x200x128xf32> to vector<200x128xf32>
    %swap3A_162 = vector.shape_cast %add3A_156 : vector<200x128xf32> to vector<1x200x128xf32>
    tpu.vector_store %arg9[%swap3A_157, %swap3A_158, %swap3A_159], %swap3A_162 {strides = array<i32>} : memref<32x200x128xf32, #tpu.memory_space<vmem>>, vector<1x200x128xf32>,
    %slice3A_163 = vector.extract_strided_slice %dot_general3A_11 {offsets = [0, 768], sizes = [200, 128], strides = [1, 1]} : vector<200x4096xf32> to vector<200x128xf32>
    %eq3A_164 = arith.cmpf oeq, %slice3A_163, %get3A_14 : vector<200x128xf32>
    %convert_element_type3A_165 = arith.extui %eq3A_164 : vector<200x128xi1> to vector<200x128xi32>
    %convert_element_type3A_166 = arith.sitofp %convert_element_type3A_165 : vector<200x128xi32> to vector<200x128xf32>
    %dot_general3A_167 = arith.constant dense<0.000000e+00> : vector<200x128xf32>
    %dot_general3A_168 = tpu.matmul %convert_element_type3A_166, %get3A_33, %dot_general3A_167 {dimension_numbers = #tpu.dot_dimension_numbers<[1], [0], [0], [1], [0, 0, 1, 1], [], []>, transpose_lhs_hint = false} : vector<200x128xf32>, vector<128x128xf32>, vector<200x128xf32> -> vector<200x128xf32>
    %slice3A_169 = vector.extract_strided_slice %dot_general3A_22 {offsets = [1200, 0], sizes = [200, 128], strides = [1, 1]} : vector<3200x128xf32> to vector<200x128xf32>
    %slice3A_170 = vector.extract_strided_slice %dot_general3A_11 {offsets = [0, 768], sizes = [200, 128], strides = [1, 1]} : vector<200x4096xf32> to vector<200x128xf32>
    %eq3A_171 = arith.constant 1.200000e+02 : f32
    %eq3A_172 = vector.broadcast %eq3A_171 : f32 to vector<200x128xf32>
    %eq3A_173 = arith.cmpf oeq, %slice3A_170, %eq3A_172 : vector<200x128xf32>
    %add3A_174 = arith.addf %dot_general3A_168, %get3A_30 : vector<200x128xf32>
    %jit3A_175 = arith.constant 0.000000e+00 : f32
    %broadcast_in_dim3A_176 = vector.broadcast %jit3A_175 : f32 to vector<200x128xf32>
    %select_n3A_177 = arith.select %eq3A_173, %slice3A_169, %broadcast_in_dim3A_176 : vector<200x128xi1>, vector<200x128xf32>
    %add3A_178 = arith.addf %add3A_174, %select_n3A_177 : vector<200x128xf32>
    %swap3A_179 = arith.constant 6 : index
    %swap3A_180 = arith.constant 0 : index
    %swap3A_181 = arith.constant 0 : index
    %swap3A_182 = vector.load %arg9[%swap3A_179, %swap3A_180, %swap3A_181] : memref<32x200x128xf32, #tpu.memory_space<vmem>>, vector<1x200x128xf32>
    %swap3A_183 = vector.shape_cast %swap3A_182 : vector<1x200x128xf32> to vector<200x128xf32>
    %swap3A_184 = vector.shape_cast %add3A_178 : vector<200x128xf32> to vector<1x200x128xf32>
    tpu.vector_store %arg9[%swap3A_179, %swap3A_180, %swap3A_181], %swap3A_184 {strides = array<i32>} : memref<32x200x128xf32, #tpu.memory_space<vmem>>, vector<1x200x128xf32>,
    %slice3A_185 = vector.extract_strided_slice %dot_general3A_11 {offsets = [0, 896], sizes = [200, 128], strides = [1, 1]} : vector<200x4096xf32> to vector<200x128xf32>
    %eq3A_186 = arith.cmpf oeq, %slice3A_185, %get3A_14 : vector<200x128xf32>
    %convert_element_type3A_187 = arith.extui %eq3A_186 : vector<200x128xi1> to vector<200x128xi32>
    %convert_element_type3A_188 = arith.sitofp %convert_element_type3A_187 : vector<200x128xi32> to vector<200x128xf32>
    %dot_general3A_189 = arith.constant dense<0.000000e+00> : vector<200x128xf32>
    %dot_general3A_190 = tpu.matmul %convert_element_type3A_188, %get3A_33, %dot_general3A_189 {dimension_numbers = #tpu.dot_dimension_numbers<[1], [0], [0], [1], [0, 0, 1, 1], [], []>, transpose_lhs_hint = false} : vector<200x128xf32>, vector<128x128xf32>, vector<200x128xf32> -> vector<200x128xf32>
    %slice3A_191 = vector.extract_strided_slice %dot_general3A_22 {offsets = [1400, 0], sizes = [200, 128], strides = [1, 1]} : vector<3200x128xf32> to vector<200x128xf32>
    %slice3A_192 = vector.extract_strided_slice %dot_general3A_11 {offsets = [0, 896], sizes = [200, 128], strides = [1, 1]} : vector<200x4096xf32> to vector<200x128xf32>
    %eq3A_193 = arith.constant 1.200000e+02 : f32
    %eq3A_194 = vector.broadcast %eq3A_193 : f32 to vector<200x128xf32>
    %eq3A_195 = arith.cmpf oeq, %slice3A_192, %eq3A_194 : vector<200x128xf32>
    %add3A_196 = arith.addf %dot_general3A_190, %get3A_30 : vector<200x128xf32>
    %jit3A_197 = arith.constant 0.000000e+00 : f32
    %broadcast_in_dim3A_198 = vector.broadcast %jit3A_197 : f32 to vector<200x128xf32>
    %select_n3A_199 = arith.select %eq3A_195, %slice3A_191, %broadcast_in_dim3A_198 : vector<200x128xi1>, vector<200x128xf32>
    %add3A_200 = arith.addf %add3A_196, %select_n3A_199 : vector<200x128xf32>
    %swap3A_201 = arith.constant 7 : index
    %swap3A_202 = arith.constant 0 : index
    %swap3A_203 = arith.constant 0 : index
    %swap3A_204 = vector.load %arg9[%swap3A_201, %swap3A_202, %swap3A_203] : memref<32x200x128xf32, #tpu.memory_space<vmem>>, vector<1x200x128xf32>
    %swap3A_205 = vector.shape_cast %swap3A_204 : vector<1x200x128xf32> to vector<200x128xf32>
    %swap3A_206 = vector.shape_cast %add3A_200 : vector<200x128xf32> to vector<1x200x128xf32>
    tpu.vector_store %arg9[%swap3A_201, %swap3A_202, %swap3A_203], %swap3A_206 {strides = array<i32>} : memref<32x200x128xf32, #tpu.memory_space<vmem>>, vector<1x200x128xf32>,
    %slice3A_207 = vector.extract_strided_slice %dot_general3A_11 {offsets = [0, 1024], sizes = [200, 128], strides = [1, 1]} : vector<200x4096xf32> to vector<200x128xf32>
    %eq3A_208 = arith.cmpf oeq, %slice3A_207, %get3A_14 : vector<200x128xf32>
    %convert_element_type3A_209 = arith.extui %eq3A_208 : vector<200x128xi1> to vector<200x128xi32>
    %convert_element_type3A_210 = arith.sitofp %convert_element_type3A_209 : vector<200x128xi32> to vector<200x128xf32>
    %dot_general3A_211 = arith.constant dense<0.000000e+00> : vector<200x128xf32>
    %dot_general3A_212 = tpu.matmul %convert_element_type3A_210, %get3A_33, %dot_general3A_211 {dimension_numbers = #tpu.dot_dimension_numbers<[1], [0], [0], [1], [0, 0, 1, 1], [], []>, transpose_lhs_hint = false} : vector<200x128xf32>, vector<128x128xf32>, vector<200x128xf32> -> vector<200x128xf32>
    %slice3A_213 = vector.extract_strided_slice %dot_general3A_22 {offsets = [1600, 0], sizes = [200, 128], strides = [1, 1]} : vector<3200x128xf32> to vector<200x128xf32>
    %slice3A_214 = vector.extract_strided_slice %dot_general3A_11 {offsets = [0, 1024], sizes = [200, 128], strides = [1, 1]} : vector<200x4096xf32> to vector<200x128xf32>
    %eq3A_215 = arith.constant 1.200000e+02 : f32
    %eq3A_216 = vector.broadcast %eq3A_215 : f32 to vector<200x128xf32>
    %eq3A_217 = arith.cmpf oeq, %slice3A_214, %eq3A_216 : vector<200x128xf32>
    %add3A_218 = arith.addf %dot_general3A_212, %get3A_30 : vector<200x128xf32>
    %jit3A_219 = arith.constant 0.000000e+00 : f32
    %broadcast_in_dim3A_220 = vector.broadcast %jit3A_219 : f32 to vector<200x128xf32>
    %select_n3A_221 = arith.select %eq3A_217, %slice3A_213, %broadcast_in_dim3A_220 : vector<200x128xi1>, vector<200x128xf32>
    %add3A_222 = arith.addf %add3A_218, %select_n3A_221 : vector<200x128xf32>
    %swap3A_223 = arith.constant 8 : index
    %swap3A_224 = arith.constant 0 : index
    %swap3A_225 = arith.constant 0 : index
    %swap3A_226 = vector.load %arg9[%swap3A_223, %swap3A_224, %swap3A_225] : memref<32x200x128xf32, #tpu.memory_space<vmem>>, vector<1x200x128xf32>
    %swap3A_227 = vector.shape_cast %swap3A_226 : vector<1x200x128xf32> to vector<200x128xf32>
    %swap3A_228 = vector.shape_cast %add3A_222 : vector<200x128xf32> to vector<1x200x128xf32>
    tpu.vector_store %arg9[%swap3A_223, %swap3A_224, %swap3A_225], %swap3A_228 {strides = array<i32>} : memref<32x200x128xf32, #tpu.memory_space<vmem>>, vector<1x200x128xf32>,
    %slice3A_229 = vector.extract_strided_slice %dot_general3A_11 {offsets = [0, 1152], sizes = [200, 128], strides = [1, 1]} : vector<200x4096xf32> to vector<200x128xf32>
    %eq3A_230 = arith.cmpf oeq, %slice3A_229, %get3A_14 : vector<200x128xf32>
    %convert_element_type3A_231 = arith.extui %eq3A_230 : vector<200x128xi1> to vector<200x128xi32>
    %convert_element_type3A_232 = arith.sitofp %convert_element_type3A_231 : vector<200x128xi32> to vector<200x128xf32>
    %dot_general3A_233 = arith.constant dense<0.000000e+00> : vector<200x128xf32>
    %dot_general3A_234 = tpu.matmul %convert_element_type3A_232, %get3A_33, %dot_general3A_233 {dimension_numbers = #tpu.dot_dimension_numbers<[1], [0], [0], [1], [0, 0, 1, 1], [], []>, transpose_lhs_hint = false} : vector<200x128xf32>, vector<128x128xf32>, vector<200x128xf32> -> vector<200x128xf32>
    %slice3A_235 = vector.extract_strided_slice %dot_general3A_22 {offsets = [1800, 0], sizes = [200, 128], strides = [1, 1]} : vector<3200x128xf32> to vector<200x128xf32>
    %slice3A_236 = vector.extract_strided_slice %dot_general3A_11 {offsets = [0, 1152], sizes = [200, 128], strides = [1, 1]} : vector<200x4096xf32> to vector<200x128xf32>
    %eq3A_237 = arith.constant 1.200000e+02 : f32
    %eq3A_238 = vector.broadcast %eq3A_237 : f32 to vector<200x128xf32>
    %eq3A_239 = arith.cmpf oeq, %slice3A_236, %eq3A_238 : vector<200x128xf32>
    %add3A_240 = arith.addf %dot_general3A_234, %get3A_30 : vector<200x128xf32>
    %jit3A_241 = arith.constant 0.000000e+00 : f32
    %broadcast_in_dim3A_242 = vector.broadcast %jit3A_241 : f32 to vector<200x128xf32>
    %select_n3A_243 = arith.select %eq3A_239, %slice3A_235, %broadcast_in_dim3A_242 : vector<200x128xi1>, vector<200x128xf32>
    %add3A_244 = arith.addf %add3A_240, %select_n3A_243 : vector<200x128xf32>
    %swap3A_245 = arith.constant 9 : index
    %swap3A_246 = arith.constant 0 : index
    %swap3A_247 = arith.constant 0 : index
    %swap3A_248 = vector.load %arg9[%swap3A_245, %swap3A_246, %swap3A_247] : memref<32x200x128xf32, #tpu.memory_space<vmem>>, vector<1x200x128xf32>
    %swap3A_249 = vector.shape_cast %swap3A_248 : vector<1x200x128xf32> to vector<200x128xf32>
    %swap3A_250 = vector.shape_cast %add3A_244 : vector<200x128xf32> to vector<1x200x128xf32>
    tpu.vector_store %arg9[%swap3A_245, %swap3A_246, %swap3A_247], %swap3A_250 {strides = array<i32>} : memref<32x200x128xf32, #tpu.memory_space<vmem>>, vector<1x200x128xf32>,
    %slice3A_251 = vector.extract_strided_slice %dot_general3A_11 {offsets = [0, 1280], sizes = [200, 128], strides = [1, 1]} : vector<200x4096xf32> to vector<200x128xf32>
    %eq3A_252 = arith.cmpf oeq, %slice3A_251, %get3A_14 : vector<200x128xf32>
    %convert_element_type3A_253 = arith.extui %eq3A_252 : vector<200x128xi1> to vector<200x128xi32>
    %convert_element_type3A_254 = arith.sitofp %convert_element_type3A_253 : vector<200x128xi32> to vector<200x128xf32>
    %dot_general3A_255 = arith.constant dense<0.000000e+00> : vector<200x128xf32>
    %dot_general3A_256 = tpu.matmul %convert_element_type3A_254, %get3A_33, %dot_general3A_255 {dimension_numbers = #tpu.dot_dimension_numbers<[1], [0], [0], [1], [0, 0, 1, 1], [], []>, transpose_lhs_hint = false} : vector<200x128xf32>, vector<128x128xf32>, vector<200x128xf32> -> vector<200x128xf32>
    %slice3A_257 = vector.extract_strided_slice %dot_general3A_22 {offsets = [2000, 0], sizes = [200, 128], strides = [1, 1]} : vector<3200x128xf32> to vector<200x128xf32>
    %slice3A_258 = vector.extract_strided_slice %dot_general3A_11 {offsets = [0, 1280], sizes = [200, 128], strides = [1, 1]} : vector<200x4096xf32> to vector<200x128xf32>
    %eq3A_259 = arith.constant 1.200000e+02 : f32
    %eq3A_260 = vector.broadcast %eq3A_259 : f32 to vector<200x128xf32>
    %eq3A_261 = arith.cmpf oeq, %slice3A_258, %eq3A_260 : vector<200x128xf32>
    %add3A_262 = arith.addf %dot_general3A_256, %get3A_30 : vector<200x128xf32>
    %jit3A_263 = arith.constant 0.000000e+00 : f32
    %broadcast_in_dim3A_264 = vector.broadcast %jit3A_263 : f32 to vector<200x128xf32>
    %select_n3A_265 = arith.select %eq3A_261, %slice3A_257, %broadcast_in_dim3A_264 : vector<200x128xi1>, vector<200x128xf32>
    %add3A_266 = arith.addf %add3A_262, %select_n3A_265 : vector<200x128xf32>
    %swap3A_267 = arith.constant 10 : index
    %swap3A_268 = arith.constant 0 : index
    %swap3A_269 = arith.constant 0 : index
    %swap3A_270 = vector.load %arg9[%swap3A_267, %swap3A_268, %swap3A_269] : memref<32x200x128xf32, #tpu.memory_space<vmem>>, vector<1x200x128xf32>
    %swap3A_271 = vector.shape_cast %swap3A_270 : vector<1x200x128xf32> to vector<200x128xf32>
    %swap3A_272 = vector.shape_cast %add3A_266 : vector<200x128xf32> to vector<1x200x128xf32>
    tpu.vector_store %arg9[%swap3A_267, %swap3A_268, %swap3A_269], %swap3A_272 {strides = array<i32>} : memref<32x200x128xf32, #tpu.memory_space<vmem>>, vector<1x200x128xf32>,
    %slice3A_273 = vector.extract_strided_slice %dot_general3A_11 {offsets = [0, 1408], sizes = [200, 128], strides = [1, 1]} : vector<200x4096xf32> to vector<200x128xf32>
    %eq3A_274 = arith.cmpf oeq, %slice3A_273, %get3A_14 : vector<200x128xf32>
    %convert_element_type3A_275 = arith.extui %eq3A_274 : vector<200x128xi1> to vector<200x128xi32>
    %convert_element_type3A_276 = arith.sitofp %convert_element_type3A_275 : vector<200x128xi32> to vector<200x128xf32>
    %dot_general3A_277 = arith.constant dense<0.000000e+00> : vector<200x128xf32>
    %dot_general3A_278 = tpu.matmul %convert_element_type3A_276, %get3A_33, %dot_general3A_277 {dimension_numbers = #tpu.dot_dimension_numbers<[1], [0], [0], [1], [0, 0, 1, 1], [], []>, transpose_lhs_hint = false} : vector<200x128xf32>, vector<128x128xf32>, vector<200x128xf32> -> vector<200x128xf32>
    %slice3A_279 = vector.extract_strided_slice %dot_general3A_22 {offsets = [2200, 0], sizes = [200, 128], strides = [1, 1]} : vector<3200x128xf32> to vector<200x128xf32>
    %slice3A_280 = vector.extract_strided_slice %dot_general3A_11 {offsets = [0, 1408], sizes = [200, 128], strides = [1, 1]} : vector<200x4096xf32> to vector<200x128xf32>
    %eq3A_281 = arith.constant 1.200000e+02 : f32
    %eq3A_282 = vector.broadcast %eq3A_281 : f32 to vector<200x128xf32>
    %eq3A_283 = arith.cmpf oeq, %slice3A_280, %eq3A_282 : vector<200x128xf32>
    %add3A_284 = arith.addf %dot_general3A_278, %get3A_30 : vector<200x128xf32>
    %jit3A_285 = arith.constant 0.000000e+00 : f32
    %broadcast_in_dim3A_286 = vector.broadcast %jit3A_285 : f32 to vector<200x128xf32>
    %select_n3A_287 = arith.select %eq3A_283, %slice3A_279, %broadcast_in_dim3A_286 : vector<200x128xi1>, vector<200x128xf32>
    %add3A_288 = arith.addf %add3A_284, %select_n3A_287 : vector<200x128xf32>
    %swap3A_289 = arith.constant 11 : index
    %swap3A_290 = arith.constant 0 : index
    %swap3A_291 = arith.constant 0 : index
    %swap3A_292 = vector.load %arg9[%swap3A_289, %swap3A_290, %swap3A_291] : memref<32x200x128xf32, #tpu.memory_space<vmem>>, vector<1x200x128xf32>
    %swap3A_293 = vector.shape_cast %swap3A_292 : vector<1x200x128xf32> to vector<200x128xf32>
    %swap3A_294 = vector.shape_cast %add3A_288 : vector<200x128xf32> to vector<1x200x128xf32>
    tpu.vector_store %arg9[%swap3A_289, %swap3A_290, %swap3A_291], %swap3A_294 {strides = array<i32>} : memref<32x200x128xf32, #tpu.memory_space<vmem>>, vector<1x200x128xf32>,
    %slice3A_295 = vector.extract_strided_slice %dot_general3A_11 {offsets = [0, 1536], sizes = [200, 128], strides = [1, 1]} : vector<200x4096xf32> to vector<200x128xf32>
    %eq3A_296 = arith.cmpf oeq, %slice3A_295, %get3A_14 : vector<200x128xf32>
    %convert_element_type3A_297 = arith.extui %eq3A_296 : vector<200x128xi1> to vector<200x128xi32>
    %convert_element_type3A_298 = arith.sitofp %convert_element_type3A_297 : vector<200x128xi32> to vector<200x128xf32>
    %dot_general3A_299 = arith.constant dense<0.000000e+00> : vector<200x128xf32>
    %dot_general3A_300 = tpu.matmul %convert_element_type3A_298, %get3A_33, %dot_general3A_299 {dimension_numbers = #tpu.dot_dimension_numbers<[1], [0], [0], [1], [0, 0, 1, 1], [], []>, transpose_lhs_hint = false} : vector<200x128xf32>, vector<128x128xf32>, vector<200x128xf32> -> vector<200x128xf32>
    %slice3A_301 = vector.extract_strided_slice %dot_general3A_22 {offsets = [2400, 0], sizes = [200, 128], strides = [1, 1]} : vector<3200x128xf32> to vector<200x128xf32>
    %slice3A_302 = vector.extract_strided_slice %dot_general3A_11 {offsets = [0, 1536], sizes = [200, 128], strides = [1, 1]} : vector<200x4096xf32> to vector<200x128xf32>
    %eq3A_303 = arith.constant 1.200000e+02 : f32
    %eq3A_304 = vector.broadcast %eq3A_303 : f32 to vector<200x128xf32>
    %eq3A_305 = arith.cmpf oeq, %slice3A_302, %eq3A_304 : vector<200x128xf32>
    %add3A_306 = arith.addf %dot_general3A_300, %get3A_30 : vector<200x128xf32>
    %jit3A_307 = arith.constant 0.000000e+00 : f32
    %broadcast_in_dim3A_308 = vector.broadcast %jit3A_307 : f32 to vector<200x128xf32>
    %select_n3A_309 = arith.select %eq3A_305, %slice3A_301, %broadcast_in_dim3A_308 : vector<200x128xi1>, vector<200x128xf32>
    %add3A_310 = arith.addf %add3A_306, %select_n3A_309 : vector<200x128xf32>
    %swap3A_311 = arith.constant 12 : index
    %swap3A_312 = arith.constant 0 : index
    %swap3A_313 = arith.constant 0 : index
    %swap3A_314 = vector.load %arg9[%swap3A_311, %swap3A_312, %swap3A_313] : memref<32x200x128xf32, #tpu.memory_space<vmem>>, vector<1x200x128xf32>
    %swap3A_315 = vector.shape_cast %swap3A_314 : vector<1x200x128xf32> to vector<200x128xf32>
    %swap3A_316 = vector.shape_cast %add3A_310 : vector<200x128xf32> to vector<1x200x128xf32>
    tpu.vector_store %arg9[%swap3A_311, %swap3A_312, %swap3A_313], %swap3A_316 {strides = array<i32>} : memref<32x200x128xf32, #tpu.memory_space<vmem>>, vector<1x200x128xf32>,
    %slice3A_317 = vector.extract_strided_slice %dot_general3A_11 {offsets = [0, 1664], sizes = [200, 128], strides = [1, 1]} : vector<200x4096xf32> to vector<200x128xf32>
    %eq3A_318 = arith.cmpf oeq, %slice3A_317, %get3A_14 : vector<200x128xf32>
    %convert_element_type3A_319 = arith.extui %eq3A_318 : vector<200x128xi1> to vector<200x128xi32>
    %convert_element_type3A_320 = arith.sitofp %convert_element_type3A_319 : vector<200x128xi32> to vector<200x128xf32>
    %dot_general3A_321 = arith.constant dense<0.000000e+00> : vector<200x128xf32>
    %dot_general3A_322 = tpu.matmul %convert_element_type3A_320, %get3A_33, %dot_general3A_321 {dimension_numbers = #tpu.dot_dimension_numbers<[1], [0], [0], [1], [0, 0, 1, 1], [], []>, transpose_lhs_hint = false} : vector<200x128xf32>, vector<128x128xf32>, vector<200x128xf32> -> vector<200x128xf32>
    %slice3A_323 = vector.extract_strided_slice %dot_general3A_22 {offsets = [2600, 0], sizes = [200, 128], strides = [1, 1]} : vector<3200x128xf32> to vector<200x128xf32>
    %slice3A_324 = vector.extract_strided_slice %dot_general3A_11 {offsets = [0, 1664], sizes = [200, 128], strides = [1, 1]} : vector<200x4096xf32> to vector<200x128xf32>
    %eq3A_325 = arith.constant 1.200000e+02 : f32
    %eq3A_326 = vector.broadcast %eq3A_325 : f32 to vector<200x128xf32>
    %eq3A_327 = arith.cmpf oeq, %slice3A_324, %eq3A_326 : vector<200x128xf32>
    %add3A_328 = arith.addf %dot_general3A_322, %get3A_30 : vector<200x128xf32>
    %jit3A_329 = arith.constant 0.000000e+00 : f32
    %broadcast_in_dim3A_330 = vector.broadcast %jit3A_329 : f32 to vector<200x128xf32>
    %select_n3A_331 = arith.select %eq3A_327, %slice3A_323, %broadcast_in_dim3A_330 : vector<200x128xi1>, vector<200x128xf32>
    %add3A_332 = arith.addf %add3A_328, %select_n3A_331 : vector<200x128xf32>
    %swap3A_333 = arith.constant 13 : index
    %swap3A_334 = arith.constant 0 : index
    %swap3A_335 = arith.constant 0 : index
    %swap3A_336 = vector.load %arg9[%swap3A_333, %swap3A_334, %swap3A_335] : memref<32x200x128xf32, #tpu.memory_space<vmem>>, vector<1x200x128xf32>
    %swap3A_337 = vector.shape_cast %swap3A_336 : vector<1x200x128xf32> to vector<200x128xf32>
    %swap3A_338 = vector.shape_cast %add3A_332 : vector<200x128xf32> to vector<1x200x128xf32>
    tpu.vector_store %arg9[%swap3A_333, %swap3A_334, %swap3A_335], %swap3A_338 {strides = array<i32>} : memref<32x200x128xf32, #tpu.memory_space<vmem>>, vector<1x200x128xf32>,
    %slice3A_339 = vector.extract_strided_slice %dot_general3A_11 {offsets = [0, 1792], sizes = [200, 128], strides = [1, 1]} : vector<200x4096xf32> to vector<200x128xf32>
    %eq3A_340 = arith.cmpf oeq, %slice3A_339, %get3A_14 : vector<200x128xf32>
    %convert_element_type3A_341 = arith.extui %eq3A_340 : vector<200x128xi1> to vector<200x128xi32>
    %convert_element_type3A_342 = arith.sitofp %convert_element_type3A_341 : vector<200x128xi32> to vector<200x128xf32>
    %dot_general3A_343 = arith.constant dense<0.000000e+00> : vector<200x128xf32>
    %dot_general3A_344 = tpu.matmul %convert_element_type3A_342, %get3A_33, %dot_general3A_343 {dimension_numbers = #tpu.dot_dimension_numbers<[1], [0], [0], [1], [0, 0, 1, 1], [], []>, transpose_lhs_hint = false} : vector<200x128xf32>, vector<128x128xf32>, vector<200x128xf32> -> vector<200x128xf32>
    %slice3A_345 = vector.extract_strided_slice %dot_general3A_22 {offsets = [2800, 0], sizes = [200, 128], strides = [1, 1]} : vector<3200x128xf32> to vector<200x128xf32>
    %slice3A_346 = vector.extract_strided_slice %dot_general3A_11 {offsets = [0, 1792], sizes = [200, 128], strides = [1, 1]} : vector<200x4096xf32> to vector<200x128xf32>
    %eq3A_347 = arith.constant 1.200000e+02 : f32
    %eq3A_348 = vector.broadcast %eq3A_347 : f32 to vector<200x128xf32>
    %eq3A_349 = arith.cmpf oeq, %slice3A_346, %eq3A_348 : vector<200x128xf32>
    %add3A_350 = arith.addf %dot_general3A_344, %get3A_30 : vector<200x128xf32>
    %jit3A_351 = arith.constant 0.000000e+00 : f32
    %broadcast_in_dim3A_352 = vector.broadcast %jit3A_351 : f32 to vector<200x128xf32>
    %select_n3A_353 = arith.select %eq3A_349, %slice3A_345, %broadcast_in_dim3A_352 : vector<200x128xi1>, vector<200x128xf32>
    %add3A_354 = arith.addf %add3A_350, %select_n3A_353 : vector<200x128xf32>
    %swap3A_355 = arith.constant 14 : index
    %swap3A_356 = arith.constant 0 : index
    %swap3A_357 = arith.constant 0 : index
    %swap3A_358 = vector.load %arg9[%swap3A_355, %swap3A_356, %swap3A_357] : memref<32x200x128xf32, #tpu.memory_space<vmem>>, vector<1x200x128xf32>
    %swap3A_359 = vector.shape_cast %swap3A_358 : vector<1x200x128xf32> to vector<200x128xf32>
    %swap3A_360 = vector.shape_cast %add3A_354 : vector<200x128xf32> to vector<1x200x128xf32>
    tpu.vector_store %arg9[%swap3A_355, %swap3A_356, %swap3A_357], %swap3A_360 {strides = array<i32>} : memref<32x200x128xf32, #tpu.memory_space<vmem>>, vector<1x200x128xf32>,
    %slice3A_361 = vector.extract_strided_slice %dot_general3A_11 {offsets = [0, 1920], sizes = [200, 128], strides = [1, 1]} : vector<200x4096xf32> to vector<200x128xf32>
    %eq3A_362 = arith.cmpf oeq, %slice3A_361, %get3A_14 : vector<200x128xf32>
    %convert_element_type3A_363 = arith.extui %eq3A_362 : vector<200x128xi1> to vector<200x128xi32>
    %convert_element_type3A_364 = arith.sitofp %convert_element_type3A_363 : vector<200x128xi32> to vector<200x128xf32>
    %dot_general3A_365 = arith.constant dense<0.000000e+00> : vector<200x128xf32>
    %dot_general3A_366 = tpu.matmul %convert_element_type3A_364, %get3A_33, %dot_general3A_365 {dimension_numbers = #tpu.dot_dimension_numbers<[1], [0], [0], [1], [0, 0, 1, 1], [], []>, transpose_lhs_hint = false} : vector<200x128xf32>, vector<128x128xf32>, vector<200x128xf32> -> vector<200x128xf32>
    %slice3A_367 = vector.extract_strided_slice %dot_general3A_22 {offsets = [3000, 0], sizes = [200, 128], strides = [1, 1]} : vector<3200x128xf32> to vector<200x128xf32>
    %slice3A_368 = vector.extract_strided_slice %dot_general3A_11 {offsets = [0, 1920], sizes = [200, 128], strides = [1, 1]} : vector<200x4096xf32> to vector<200x128xf32>
    %eq3A_369 = arith.constant 1.200000e+02 : f32
    %eq3A_370 = vector.broadcast %eq3A_369 : f32 to vector<200x128xf32>
    %eq3A_371 = arith.cmpf oeq, %slice3A_368, %eq3A_370 : vector<200x128xf32>
    %add3A_372 = arith.addf %dot_general3A_366, %get3A_30 : vector<200x128xf32>
    %jit3A_373 = arith.constant 0.000000e+00 : f32
    %broadcast_in_dim3A_374 = vector.broadcast %jit3A_373 : f32 to vector<200x128xf32>
    %select_n3A_375 = arith.select %eq3A_371, %slice3A_367, %broadcast_in_dim3A_374 : vector<200x128xi1>, vector<200x128xf32>
    %add3A_376 = arith.addf %add3A_372, %select_n3A_375 : vector<200x128xf32>
    %swap3A_377 = arith.constant 15 : index
    %swap3A_378 = arith.constant 0 : index
    %swap3A_379 = arith.constant 0 : index
    %swap3A_380 = vector.load %arg9[%swap3A_377, %swap3A_378, %swap3A_379] : memref<32x200x128xf32, #tpu.memory_space<vmem>>, vector<1x200x128xf32>
    %swap3A_381 = vector.shape_cast %swap3A_380 : vector<1x200x128xf32> to vector<200x128xf32>
    %swap3A_382 = vector.shape_cast %add3A_376 : vector<200x128xf32> to vector<1x200x128xf32>
    tpu.vector_store %arg9[%swap3A_377, %swap3A_378, %swap3A_379], %swap3A_382 {strides = array<i32>} : memref<32x200x128xf32, #tpu.memory_space<vmem>>, vector<1x200x128xf32>,
    %slice3A_383 = vector.extract_strided_slice %dot_general3A_11 {offsets = [0, 2048], sizes = [200, 128], strides = [1, 1]} : vector<200x4096xf32> to vector<200x128xf32>
    %eq3A_384 = arith.cmpf oeq, %slice3A_383, %get3A_14 : vector<200x128xf32>
    %convert_element_type3A_385 = arith.extui %eq3A_384 : vector<200x128xi1> to vector<200x128xi32>
    %convert_element_type3A_386 = arith.sitofp %convert_element_type3A_385 : vector<200x128xi32> to vector<200x128xf32>
    %dot_general3A_387 = arith.constant dense<0.000000e+00> : vector<200x128xf32>
    %dot_general3A_388 = tpu.matmul %convert_element_type3A_386, %get3A_33, %dot_general3A_387 {dimension_numbers = #tpu.dot_dimension_numbers<[1], [0], [0], [1], [0, 0, 1, 1], [], []>, transpose_lhs_hint = false} : vector<200x128xf32>, vector<128x128xf32>, vector<200x128xf32> -> vector<200x128xf32>
    %slice3A_389 = vector.extract_strided_slice %dot_general3A_27 {offsets = [0, 0], sizes = [200, 128], strides = [1, 1]} : vector<3200x128xf32> to vector<200x128xf32>
    %slice3A_390 = vector.extract_strided_slice %dot_general3A_11 {offsets = [0, 2048], sizes = [200, 128], strides = [1, 1]} : vector<200x4096xf32> to vector<200x128xf32>
    %eq3A_391 = arith.constant 1.200000e+02 : f32
    %eq3A_392 = vector.broadcast %eq3A_391 : f32 to vector<200x128xf32>
    %eq3A_393 = arith.cmpf oeq, %slice3A_390, %eq3A_392 : vector<200x128xf32>
    %add3A_394 = arith.addf %dot_general3A_388, %get3A_30 : vector<200x128xf32>
    %jit3A_395 = arith.constant 0.000000e+00 : f32
    %broadcast_in_dim3A_396 = vector.broadcast %jit3A_395 : f32 to vector<200x128xf32>
    %select_n3A_397 = arith.select %eq3A_393, %slice3A_389, %broadcast_in_dim3A_396 : vector<200x128xi1>, vector<200x128xf32>
    %add3A_398 = arith.addf %add3A_394, %select_n3A_397 : vector<200x128xf32>
    %swap3A_399 = arith.constant 16 : index
    %swap3A_400 = arith.constant 0 : index
    %swap3A_401 = arith.constant 0 : index
    %swap3A_402 = vector.load %arg9[%swap3A_399, %swap3A_400, %swap3A_401] : memref<32x200x128xf32, #tpu.memory_space<vmem>>, vector<1x200x128xf32>
    %swap3A_403 = vector.shape_cast %swap3A_402 : vector<1x200x128xf32> to vector<200x128xf32>
    %swap3A_404 = vector.shape_cast %add3A_398 : vector<200x128xf32> to vector<1x200x128xf32>
    tpu.vector_store %arg9[%swap3A_399, %swap3A_400, %swap3A_401], %swap3A_404 {strides = array<i32>} : memref<32x200x128xf32, #tpu.memory_space<vmem>>, vector<1x200x128xf32>,
    %slice3A_405 = vector.extract_strided_slice %dot_general3A_11 {offsets = [0, 2176], sizes = [200, 128], strides = [1, 1]} : vector<200x4096xf32> to vector<200x128xf32>
    %eq3A_406 = arith.cmpf oeq, %slice3A_405, %get3A_14 : vector<200x128xf32>
    %convert_element_type3A_407 = arith.extui %eq3A_406 : vector<200x128xi1> to vector<200x128xi32>
    %convert_element_type3A_408 = arith.sitofp %convert_element_type3A_407 : vector<200x128xi32> to vector<200x128xf32>
    %dot_general3A_409 = arith.constant dense<0.000000e+00> : vector<200x128xf32>
    %dot_general3A_410 = tpu.matmul %convert_element_type3A_408, %get3A_33, %dot_general3A_409 {dimension_numbers = #tpu.dot_dimension_numbers<[1], [0], [0], [1], [0, 0, 1, 1], [], []>, transpose_lhs_hint = false} : vector<200x128xf32>, vector<128x128xf32>, vector<200x128xf32> -> vector<200x128xf32>
    %slice3A_411 = vector.extract_strided_slice %dot_general3A_27 {offsets = [200, 0], sizes = [200, 128], strides = [1, 1]} : vector<3200x128xf32> to vector<200x128xf32>
    %slice3A_412 = vector.extract_strided_slice %dot_general3A_11 {offsets = [0, 2176], sizes = [200, 128], strides = [1, 1]} : vector<200x4096xf32> to vector<200x128xf32>
    %eq3A_413 = arith.constant 1.200000e+02 : f32
    %eq3A_414 = vector.broadcast %eq3A_413 : f32 to vector<200x128xf32>
    %eq3A_415 = arith.cmpf oeq, %slice3A_412, %eq3A_414 : vector<200x128xf32>
    %add3A_416 = arith.addf %dot_general3A_410, %get3A_30 : vector<200x128xf32>
    %jit3A_417 = arith.constant 0.000000e+00 : f32
    %broadcast_in_dim3A_418 = vector.broadcast %jit3A_417 : f32 to vector<200x128xf32>
    %select_n3A_419 = arith.select %eq3A_415, %slice3A_411, %broadcast_in_dim3A_418 : vector<200x128xi1>, vector<200x128xf32>
    %add3A_420 = arith.addf %add3A_416, %select_n3A_419 : vector<200x128xf32>
    %swap3A_421 = arith.constant 17 : index
    %swap3A_422 = arith.constant 0 : index
    %swap3A_423 = arith.constant 0 : index
    %swap3A_424 = vector.load %arg9[%swap3A_421, %swap3A_422, %swap3A_423] : memref<32x200x128xf32, #tpu.memory_space<vmem>>, vector<1x200x128xf32>
    %swap3A_425 = vector.shape_cast %swap3A_424 : vector<1x200x128xf32> to vector<200x128xf32>
    %swap3A_426 = vector.shape_cast %add3A_420 : vector<200x128xf32> to vector<1x200x128xf32>
    tpu.vector_store %arg9[%swap3A_421, %swap3A_422, %swap3A_423], %swap3A_426 {strides = array<i32>} : memref<32x200x128xf32, #tpu.memory_space<vmem>>, vector<1x200x128xf32>,
    %slice3A_427 = vector.extract_strided_slice %dot_general3A_11 {offsets = [0, 2304], sizes = [200, 128], strides = [1, 1]} : vector<200x4096xf32> to vector<200x128xf32>
    %eq3A_428 = arith.cmpf oeq, %slice3A_427, %get3A_14 : vector<200x128xf32>
    %convert_element_type3A_429 = arith.extui %eq3A_428 : vector<200x128xi1> to vector<200x128xi32>
    %convert_element_type3A_430 = arith.sitofp %convert_element_type3A_429 : vector<200x128xi32> to vector<200x128xf32>
    %dot_general3A_431 = arith.constant dense<0.000000e+00> : vector<200x128xf32>
    %dot_general3A_432 = tpu.matmul %convert_element_type3A_430, %get3A_33, %dot_general3A_431 {dimension_numbers = #tpu.dot_dimension_numbers<[1], [0], [0], [1], [0, 0, 1, 1], [], []>, transpose_lhs_hint = false} : vector<200x128xf32>, vector<128x128xf32>, vector<200x128xf32> -> vector<200x128xf32>
    %slice3A_433 = vector.extract_strided_slice %dot_general3A_27 {offsets = [400, 0], sizes = [200, 128], strides = [1, 1]} : vector<3200x128xf32> to vector<200x128xf32>
    %slice3A_434 = vector.extract_strided_slice %dot_general3A_11 {offsets = [0, 2304], sizes = [200, 128], strides = [1, 1]} : vector<200x4096xf32> to vector<200x128xf32>
    %eq3A_435 = arith.constant 1.200000e+02 : f32
    %eq3A_436 = vector.broadcast %eq3A_435 : f32 to vector<200x128xf32>
    %eq3A_437 = arith.cmpf oeq, %slice3A_434, %eq3A_436 : vector<200x128xf32>
    %add3A_438 = arith.addf %dot_general3A_432, %get3A_30 : vector<200x128xf32>
    %jit3A_439 = arith.constant 0.000000e+00 : f32
    %broadcast_in_dim3A_440 = vector.broadcast %jit3A_439 : f32 to vector<200x128xf32>
    %select_n3A_441 = arith.select %eq3A_437, %slice3A_433, %broadcast_in_dim3A_440 : vector<200x128xi1>, vector<200x128xf32>
    %add3A_442 = arith.addf %add3A_438, %select_n3A_441 : vector<200x128xf32>
    %swap3A_443 = arith.constant 18 : index
    %swap3A_444 = arith.constant 0 : index
    %swap3A_445 = arith.constant 0 : index
    %swap3A_446 = vector.load %arg9[%swap3A_443, %swap3A_444, %swap3A_445] : memref<32x200x128xf32, #tpu.memory_space<vmem>>, vector<1x200x128xf32>
    %swap3A_447 = vector.shape_cast %swap3A_446 : vector<1x200x128xf32> to vector<200x128xf32>
    %swap3A_448 = vector.shape_cast %add3A_442 : vector<200x128xf32> to vector<1x200x128xf32>
    tpu.vector_store %arg9[%swap3A_443, %swap3A_444, %swap3A_445], %swap3A_448 {strides = array<i32>} : memref<32x200x128xf32, #tpu.memory_space<vmem>>, vector<1x200x128xf32>,
    %slice3A_449 = vector.extract_strided_slice %dot_general3A_11 {offsets = [0, 2432], sizes = [200, 128], strides = [1, 1]} : vector<200x4096xf32> to vector<200x128xf32>
    %eq3A_450 = arith.cmpf oeq, %slice3A_449, %get3A_14 : vector<200x128xf32>
    %convert_element_type3A_451 = arith.extui %eq3A_450 : vector<200x128xi1> to vector<200x128xi32>
    %convert_element_type3A_452 = arith.sitofp %convert_element_type3A_451 : vector<200x128xi32> to vector<200x128xf32>
    %dot_general3A_453 = arith.constant dense<0.000000e+00> : vector<200x128xf32>
    %dot_general3A_454 = tpu.matmul %convert_element_type3A_452, %get3A_33, %dot_general3A_453 {dimension_numbers = #tpu.dot_dimension_numbers<[1], [0], [0], [1], [0, 0, 1, 1], [], []>, transpose_lhs_hint = false} : vector<200x128xf32>, vector<128x128xf32>, vector<200x128xf32> -> vector<200x128xf32>
    %slice3A_455 = vector.extract_strided_slice %dot_general3A_27 {offsets = [600, 0], sizes = [200, 128], strides = [1, 1]} : vector<3200x128xf32> to vector<200x128xf32>
    %slice3A_456 = vector.extract_strided_slice %dot_general3A_11 {offsets = [0, 2432], sizes = [200, 128], strides = [1, 1]} : vector<200x4096xf32> to vector<200x128xf32>
    %eq3A_457 = arith.constant 1.200000e+02 : f32
    %eq3A_458 = vector.broadcast %eq3A_457 : f32 to vector<200x128xf32>
    %eq3A_459 = arith.cmpf oeq, %slice3A_456, %eq3A_458 : vector<200x128xf32>
    %add3A_460 = arith.addf %dot_general3A_454, %get3A_30 : vector<200x128xf32>
    %jit3A_461 = arith.constant 0.000000e+00 : f32
    %broadcast_in_dim3A_462 = vector.broadcast %jit3A_461 : f32 to vector<200x128xf32>
    %select_n3A_463 = arith.select %eq3A_459, %slice3A_455, %broadcast_in_dim3A_462 : vector<200x128xi1>, vector<200x128xf32>
    %add3A_464 = arith.addf %add3A_460, %select_n3A_463 : vector<200x128xf32>
    %swap3A_465 = arith.constant 19 : index
    %swap3A_466 = arith.constant 0 : index
    %swap3A_467 = arith.constant 0 : index
    %swap3A_468 = vector.load %arg9[%swap3A_465, %swap3A_466, %swap3A_467] : memref<32x200x128xf32, #tpu.memory_space<vmem>>, vector<1x200x128xf32>
    %swap3A_469 = vector.shape_cast %swap3A_468 : vector<1x200x128xf32> to vector<200x128xf32>
    %swap3A_470 = vector.shape_cast %add3A_464 : vector<200x128xf32> to vector<1x200x128xf32>
    tpu.vector_store %arg9[%swap3A_465, %swap3A_466, %swap3A_467], %swap3A_470 {strides = array<i32>} : memref<32x200x128xf32, #tpu.memory_space<vmem>>, vector<1x200x128xf32>,
    %slice3A_471 = vector.extract_strided_slice %dot_general3A_11 {offsets = [0, 2560], sizes = [200, 128], strides = [1, 1]} : vector<200x4096xf32> to vector<200x128xf32>
    %eq3A_472 = arith.cmpf oeq, %slice3A_471, %get3A_14 : vector<200x128xf32>
    %convert_element_type3A_473 = arith.extui %eq3A_472 : vector<200x128xi1> to vector<200x128xi32>
    %convert_element_type3A_474 = arith.sitofp %convert_element_type3A_473 : vector<200x128xi32> to vector<200x128xf32>
    %dot_general3A_475 = arith.constant dense<0.000000e+00> : vector<200x128xf32>
    %dot_general3A_476 = tpu.matmul %convert_element_type3A_474, %get3A_33, %dot_general3A_475 {dimension_numbers = #tpu.dot_dimension_numbers<[1], [0], [0], [1], [0, 0, 1, 1], [], []>, transpose_lhs_hint = false} : vector<200x128xf32>, vector<128x128xf32>, vector<200x128xf32> -> vector<200x128xf32>
    %slice3A_477 = vector.extract_strided_slice %dot_general3A_27 {offsets = [800, 0], sizes = [200, 128], strides = [1, 1]} : vector<3200x128xf32> to vector<200x128xf32>
    %slice3A_478 = vector.extract_strided_slice %dot_general3A_11 {offsets = [0, 2560], sizes = [200, 128], strides = [1, 1]} : vector<200x4096xf32> to vector<200x128xf32>
    %eq3A_479 = arith.constant 1.200000e+02 : f32
    %eq3A_480 = vector.broadcast %eq3A_479 : f32 to vector<200x128xf32>
    %eq3A_481 = arith.cmpf oeq, %slice3A_478, %eq3A_480 : vector<200x128xf32>
    %add3A_482 = arith.addf %dot_general3A_476, %get3A_30 : vector<200x128xf32>
    %jit3A_483 = arith.constant 0.000000e+00 : f32
    %broadcast_in_dim3A_484 = vector.broadcast %jit3A_483 : f32 to vector<200x128xf32>
    %select_n3A_485 = arith.select %eq3A_481, %slice3A_477, %broadcast_in_dim3A_484 : vector<200x128xi1>, vector<200x128xf32>
    %add3A_486 = arith.addf %add3A_482, %select_n3A_485 : vector<200x128xf32>
    %swap3A_487 = arith.constant 20 : index
    %swap3A_488 = arith.constant 0 : index
    %swap3A_489 = arith.constant 0 : index
    %swap3A_490 = vector.load %arg9[%swap3A_487, %swap3A_488, %swap3A_489] : memref<32x200x128xf32, #tpu.memory_space<vmem>>, vector<1x200x128xf32>
    %swap3A_491 = vector.shape_cast %swap3A_490 : vector<1x200x128xf32> to vector<200x128xf32>
    %swap3A_492 = vector.shape_cast %add3A_486 : vector<200x128xf32> to vector<1x200x128xf32>
    tpu.vector_store %arg9[%swap3A_487, %swap3A_488, %swap3A_489], %swap3A_492 {strides = array<i32>} : memref<32x200x128xf32, #tpu.memory_space<vmem>>, vector<1x200x128xf32>,
    %slice3A_493 = vector.extract_strided_slice %dot_general3A_11 {offsets = [0, 2688], sizes = [200, 128], strides = [1, 1]} : vector<200x4096xf32> to vector<200x128xf32>
    %eq3A_494 = arith.cmpf oeq, %slice3A_493, %get3A_14 : vector<200x128xf32>
    %convert_element_type3A_495 = arith.extui %eq3A_494 : vector<200x128xi1> to vector<200x128xi32>
    %convert_element_type3A_496 = arith.sitofp %convert_element_type3A_495 : vector<200x128xi32> to vector<200x128xf32>
    %dot_general3A_497 = arith.constant dense<0.000000e+00> : vector<200x128xf32>
    %dot_general3A_498 = tpu.matmul %convert_element_type3A_496, %get3A_33, %dot_general3A_497 {dimension_numbers = #tpu.dot_dimension_numbers<[1], [0], [0], [1], [0, 0, 1, 1], [], []>, transpose_lhs_hint = false} : vector<200x128xf32>, vector<128x128xf32>, vector<200x128xf32> -> vector<200x128xf32>
    %slice3A_499 = vector.extract_strided_slice %dot_general3A_27 {offsets = [1000, 0], sizes = [200, 128], strides = [1, 1]} : vector<3200x128xf32> to vector<200x128xf32>
    %slice3A_500 = vector.extract_strided_slice %dot_general3A_11 {offsets = [0, 2688], sizes = [200, 128], strides = [1, 1]} : vector<200x4096xf32> to vector<200x128xf32>
    %eq3A_501 = arith.constant 1.200000e+02 : f32
    %eq3A_502 = vector.broadcast %eq3A_501 : f32 to vector<200x128xf32>
    %eq3A_503 = arith.cmpf oeq, %slice3A_500, %eq3A_502 : vector<200x128xf32>
    %add3A_504 = arith.addf %dot_general3A_498, %get3A_30 : vector<200x128xf32>
    %jit3A_505 = arith.constant 0.000000e+00 : f32
    %broadcast_in_dim3A_506 = vector.broadcast %jit3A_505 : f32 to vector<200x128xf32>
    %select_n3A_507 = arith.select %eq3A_503, %slice3A_499, %broadcast_in_dim3A_506 : vector<200x128xi1>, vector<200x128xf32>
    %add3A_508 = arith.addf %add3A_504, %select_n3A_507 : vector<200x128xf32>
    %swap3A_509 = arith.constant 21 : index
    %swap3A_510 = arith.constant 0 : index
    %swap3A_511 = arith.constant 0 : index
    %swap3A_512 = vector.load %arg9[%swap3A_509, %swap3A_510, %swap3A_511] : memref<32x200x128xf32, #tpu.memory_space<vmem>>, vector<1x200x128xf32>
    %swap3A_513 = vector.shape_cast %swap3A_512 : vector<1x200x128xf32> to vector<200x128xf32>
    %swap3A_514 = vector.shape_cast %add3A_508 : vector<200x128xf32> to vector<1x200x128xf32>
    tpu.vector_store %arg9[%swap3A_509, %swap3A_510, %swap3A_511], %swap3A_514 {strides = array<i32>} : memref<32x200x128xf32, #tpu.memory_space<vmem>>, vector<1x200x128xf32>,
    %slice3A_515 = vector.extract_strided_slice %dot_general3A_11 {offsets = [0, 2816], sizes = [200, 128], strides = [1, 1]} : vector<200x4096xf32> to vector<200x128xf32>
    %eq3A_516 = arith.cmpf oeq, %slice3A_515, %get3A_14 : vector<200x128xf32>
    %convert_element_type3A_517 = arith.extui %eq3A_516 : vector<200x128xi1> to vector<200x128xi32>
    %convert_element_type3A_518 = arith.sitofp %convert_element_type3A_517 : vector<200x128xi32> to vector<200x128xf32>
    %dot_general3A_519 = arith.constant dense<0.000000e+00> : vector<200x128xf32>
    %dot_general3A_520 = tpu.matmul %convert_element_type3A_518, %get3A_33, %dot_general3A_519 {dimension_numbers = #tpu.dot_dimension_numbers<[1], [0], [0], [1], [0, 0, 1, 1], [], []>, transpose_lhs_hint = false} : vector<200x128xf32>, vector<128x128xf32>, vector<200x128xf32> -> vector<200x128xf32>
    %slice3A_521 = vector.extract_strided_slice %dot_general3A_27 {offsets = [1200, 0], sizes = [200, 128], strides = [1, 1]} : vector<3200x128xf32> to vector<200x128xf32>
    %slice3A_522 = vector.extract_strided_slice %dot_general3A_11 {offsets = [0, 2816], sizes = [200, 128], strides = [1, 1]} : vector<200x4096xf32> to vector<200x128xf32>
    %eq3A_523 = arith.constant 1.200000e+02 : f32
    %eq3A_524 = vector.broadcast %eq3A_523 : f32 to vector<200x128xf32>
    %eq3A_525 = arith.cmpf oeq, %slice3A_522, %eq3A_524 : vector<200x128xf32>
    %add3A_526 = arith.addf %dot_general3A_520, %get3A_30 : vector<200x128xf32>
    %jit3A_527 = arith.constant 0.000000e+00 : f32
    %broadcast_in_dim3A_528 = vector.broadcast %jit3A_527 : f32 to vector<200x128xf32>
    %select_n3A_529 = arith.select %eq3A_525, %slice3A_521, %broadcast_in_dim3A_528 : vector<200x128xi1>, vector<200x128xf32>
    %add3A_530 = arith.addf %add3A_526, %select_n3A_529 : vector<200x128xf32>
    %swap3A_531 = arith.constant 22 : index
    %swap3A_532 = arith.constant 0 : index
    %swap3A_533 = arith.constant 0 : index
    %swap3A_534 = vector.load %arg9[%swap3A_531, %swap3A_532, %swap3A_533] : memref<32x200x128xf32, #tpu.memory_space<vmem>>, vector<1x200x128xf32>
    %swap3A_535 = vector.shape_cast %swap3A_534 : vector<1x200x128xf32> to vector<200x128xf32>
    %swap3A_536 = vector.shape_cast %add3A_530 : vector<200x128xf32> to vector<1x200x128xf32>
    tpu.vector_store %arg9[%swap3A_531, %swap3A_532, %swap3A_533], %swap3A_536 {strides = array<i32>} : memref<32x200x128xf32, #tpu.memory_space<vmem>>, vector<1x200x128xf32>,
    %slice3A_537 = vector.extract_strided_slice %dot_general3A_11 {offsets = [0, 2944], sizes = [200, 128], strides = [1, 1]} : vector<200x4096xf32> to vector<200x128xf32>
    %eq3A_538 = arith.cmpf oeq, %slice3A_537, %get3A_14 : vector<200x128xf32>
    %convert_element_type3A_539 = arith.extui %eq3A_538 : vector<200x128xi1> to vector<200x128xi32>
    %convert_element_type3A_540 = arith.sitofp %convert_element_type3A_539 : vector<200x128xi32> to vector<200x128xf32>
    %dot_general3A_541 = arith.constant dense<0.000000e+00> : vector<200x128xf32>
    %dot_general3A_542 = tpu.matmul %convert_element_type3A_540, %get3A_33, %dot_general3A_541 {dimension_numbers = #tpu.dot_dimension_numbers<[1], [0], [0], [1], [0, 0, 1, 1], [], []>, transpose_lhs_hint = false} : vector<200x128xf32>, vector<128x128xf32>, vector<200x128xf32> -> vector<200x128xf32>
    %slice3A_543 = vector.extract_strided_slice %dot_general3A_27 {offsets = [1400, 0], sizes = [200, 128], strides = [1, 1]} : vector<3200x128xf32> to vector<200x128xf32>
    %slice3A_544 = vector.extract_strided_slice %dot_general3A_11 {offsets = [0, 2944], sizes = [200, 128], strides = [1, 1]} : vector<200x4096xf32> to vector<200x128xf32>
    %eq3A_545 = arith.constant 1.200000e+02 : f32
    %eq3A_546 = vector.broadcast %eq3A_545 : f32 to vector<200x128xf32>
    %eq3A_547 = arith.cmpf oeq, %slice3A_544, %eq3A_546 : vector<200x128xf32>
    %add3A_548 = arith.addf %dot_general3A_542, %get3A_30 : vector<200x128xf32>
    %jit3A_549 = arith.constant 0.000000e+00 : f32
    %broadcast_in_dim3A_550 = vector.broadcast %jit3A_549 : f32 to vector<200x128xf32>
    %select_n3A_551 = arith.select %eq3A_547, %slice3A_543, %broadcast_in_dim3A_550 : vector<200x128xi1>, vector<200x128xf32>
    %add3A_552 = arith.addf %add3A_548, %select_n3A_551 : vector<200x128xf32>
    %swap3A_553 = arith.constant 23 : index
    %swap3A_554 = arith.constant 0 : index
    %swap3A_555 = arith.constant 0 : index
    %swap3A_556 = vector.load %arg9[%swap3A_553, %swap3A_554, %swap3A_555] : memref<32x200x128xf32, #tpu.memory_space<vmem>>, vector<1x200x128xf32>
    %swap3A_557 = vector.shape_cast %swap3A_556 : vector<1x200x128xf32> to vector<200x128xf32>
    %swap3A_558 = vector.shape_cast %add3A_552 : vector<200x128xf32> to vector<1x200x128xf32>
    tpu.vector_store %arg9[%swap3A_553, %swap3A_554, %swap3A_555], %swap3A_558 {strides = array<i32>} : memref<32x200x128xf32, #tpu.memory_space<vmem>>, vector<1x200x128xf32>,
    %slice3A_559 = vector.extract_strided_slice %dot_general3A_11 {offsets = [0, 3072], sizes = [200, 128], strides = [1, 1]} : vector<200x4096xf32> to vector<200x128xf32>
    %eq3A_560 = arith.cmpf oeq, %slice3A_559, %get3A_14 : vector<200x128xf32>
    %convert_element_type3A_561 = arith.extui %eq3A_560 : vector<200x128xi1> to vector<200x128xi32>
    %convert_element_type3A_562 = arith.sitofp %convert_element_type3A_561 : vector<200x128xi32> to vector<200x128xf32>
    %dot_general3A_563 = arith.constant dense<0.000000e+00> : vector<200x128xf32>
    %dot_general3A_564 = tpu.matmul %convert_element_type3A_562, %get3A_33, %dot_general3A_563 {dimension_numbers = #tpu.dot_dimension_numbers<[1], [0], [0], [1], [0, 0, 1, 1], [], []>, transpose_lhs_hint = false} : vector<200x128xf32>, vector<128x128xf32>, vector<200x128xf32> -> vector<200x128xf32>
    %slice3A_565 = vector.extract_strided_slice %dot_general3A_27 {offsets = [1600, 0], sizes = [200, 128], strides = [1, 1]} : vector<3200x128xf32> to vector<200x128xf32>
    %slice3A_566 = vector.extract_strided_slice %dot_general3A_11 {offsets = [0, 3072], sizes = [200, 128], strides = [1, 1]} : vector<200x4096xf32> to vector<200x128xf32>
    %eq3A_567 = arith.constant 1.200000e+02 : f32
    %eq3A_568 = vector.broadcast %eq3A_567 : f32 to vector<200x128xf32>
    %eq3A_569 = arith.cmpf oeq, %slice3A_566, %eq3A_568 : vector<200x128xf32>
    %add3A_570 = arith.addf %dot_general3A_564, %get3A_30 : vector<200x128xf32>
    %jit3A_571 = arith.constant 0.000000e+00 : f32
    %broadcast_in_dim3A_572 = vector.broadcast %jit3A_571 : f32 to vector<200x128xf32>
    %select_n3A_573 = arith.select %eq3A_569, %slice3A_565, %broadcast_in_dim3A_572 : vector<200x128xi1>, vector<200x128xf32>
    %add3A_574 = arith.addf %add3A_570, %select_n3A_573 : vector<200x128xf32>
    %swap3A_575 = arith.constant 24 : index
    %swap3A_576 = arith.constant 0 : index
    %swap3A_577 = arith.constant 0 : index
    %swap3A_578 = vector.load %arg9[%swap3A_575, %swap3A_576, %swap3A_577] : memref<32x200x128xf32, #tpu.memory_space<vmem>>, vector<1x200x128xf32>
    %swap3A_579 = vector.shape_cast %swap3A_578 : vector<1x200x128xf32> to vector<200x128xf32>
    %swap3A_580 = vector.shape_cast %add3A_574 : vector<200x128xf32> to vector<1x200x128xf32>
    tpu.vector_store %arg9[%swap3A_575, %swap3A_576, %swap3A_577], %swap3A_580 {strides = array<i32>} : memref<32x200x128xf32, #tpu.memory_space<vmem>>, vector<1x200x128xf32>,
    %slice3A_581 = vector.extract_strided_slice %dot_general3A_11 {offsets = [0, 3200], sizes = [200, 128], strides = [1, 1]} : vector<200x4096xf32> to vector<200x128xf32>
    %eq3A_582 = arith.cmpf oeq, %slice3A_581, %get3A_14 : vector<200x128xf32>
    %convert_element_type3A_583 = arith.extui %eq3A_582 : vector<200x128xi1> to vector<200x128xi32>
    %convert_element_type3A_584 = arith.sitofp %convert_element_type3A_583 : vector<200x128xi32> to vector<200x128xf32>
    %dot_general3A_585 = arith.constant dense<0.000000e+00> : vector<200x128xf32>
    %dot_general3A_586 = tpu.matmul %convert_element_type3A_584, %get3A_33, %dot_general3A_585 {dimension_numbers = #tpu.dot_dimension_numbers<[1], [0], [0], [1], [0, 0, 1, 1], [], []>, transpose_lhs_hint = false} : vector<200x128xf32>, vector<128x128xf32>, vector<200x128xf32> -> vector<200x128xf32>
    %slice3A_587 = vector.extract_strided_slice %dot_general3A_27 {offsets = [1800, 0], sizes = [200, 128], strides = [1, 1]} : vector<3200x128xf32> to vector<200x128xf32>
    %slice3A_588 = vector.extract_strided_slice %dot_general3A_11 {offsets = [0, 3200], sizes = [200, 128], strides = [1, 1]} : vector<200x4096xf32> to vector<200x128xf32>
    %eq3A_589 = arith.constant 1.200000e+02 : f32
    %eq3A_590 = vector.broadcast %eq3A_589 : f32 to vector<200x128xf32>
    %eq3A_591 = arith.cmpf oeq, %slice3A_588, %eq3A_590 : vector<200x128xf32>
    %add3A_592 = arith.addf %dot_general3A_586, %get3A_30 : vector<200x128xf32>
    %jit3A_593 = arith.constant 0.000000e+00 : f32
    %broadcast_in_dim3A_594 = vector.broadcast %jit3A_593 : f32 to vector<200x128xf32>
    %select_n3A_595 = arith.select %eq3A_591, %slice3A_587, %broadcast_in_dim3A_594 : vector<200x128xi1>, vector<200x128xf32>
    %add3A_596 = arith.addf %add3A_592, %select_n3A_595 : vector<200x128xf32>
    %swap3A_597 = arith.constant 25 : index
    %swap3A_598 = arith.constant 0 : index
    %swap3A_599 = arith.constant 0 : index
    %swap3A_600 = vector.load %arg9[%swap3A_597, %swap3A_598, %swap3A_599] : memref<32x200x128xf32, #tpu.memory_space<vmem>>, vector<1x200x128xf32>
    %swap3A_601 = vector.shape_cast %swap3A_600 : vector<1x200x128xf32> to vector<200x128xf32>
    %swap3A_602 = vector.shape_cast %add3A_596 : vector<200x128xf32> to vector<1x200x128xf32>
    tpu.vector_store %arg9[%swap3A_597, %swap3A_598, %swap3A_599], %swap3A_602 {strides = array<i32>} : memref<32x200x128xf32, #tpu.memory_space<vmem>>, vector<1x200x128xf32>,
    %slice3A_603 = vector.extract_strided_slice %dot_general3A_11 {offsets = [0, 3328], sizes = [200, 128], strides = [1, 1]} : vector<200x4096xf32> to vector<200x128xf32>
    %eq3A_604 = arith.cmpf oeq, %slice3A_603, %get3A_14 : vector<200x128xf32>
    %convert_element_type3A_605 = arith.extui %eq3A_604 : vector<200x128xi1> to vector<200x128xi32>
    %convert_element_type3A_606 = arith.sitofp %convert_element_type3A_605 : vector<200x128xi32> to vector<200x128xf32>
    %dot_general3A_607 = arith.constant dense<0.000000e+00> : vector<200x128xf32>
    %dot_general3A_608 = tpu.matmul %convert_element_type3A_606, %get3A_33, %dot_general3A_607 {dimension_numbers = #tpu.dot_dimension_numbers<[1], [0], [0], [1], [0, 0, 1, 1], [], []>, transpose_lhs_hint = false} : vector<200x128xf32>, vector<128x128xf32>, vector<200x128xf32> -> vector<200x128xf32>
    %slice3A_609 = vector.extract_strided_slice %dot_general3A_27 {offsets = [2000, 0], sizes = [200, 128], strides = [1, 1]} : vector<3200x128xf32> to vector<200x128xf32>
    %slice3A_610 = vector.extract_strided_slice %dot_general3A_11 {offsets = [0, 3328], sizes = [200, 128], strides = [1, 1]} : vector<200x4096xf32> to vector<200x128xf32>
    %eq3A_611 = arith.constant 1.200000e+02 : f32
    %eq3A_612 = vector.broadcast %eq3A_611 : f32 to vector<200x128xf32>
    %eq3A_613 = arith.cmpf oeq, %slice3A_610, %eq3A_612 : vector<200x128xf32>
    %add3A_614 = arith.addf %dot_general3A_608, %get3A_30 : vector<200x128xf32>
    %jit3A_615 = arith.constant 0.000000e+00 : f32
    %broadcast_in_dim3A_616 = vector.broadcast %jit3A_615 : f32 to vector<200x128xf32>
    %select_n3A_617 = arith.select %eq3A_613, %slice3A_609, %broadcast_in_dim3A_616 : vector<200x128xi1>, vector<200x128xf32>
    %add3A_618 = arith.addf %add3A_614, %select_n3A_617 : vector<200x128xf32>
    %swap3A_619 = arith.constant 26 : index
    %swap3A_620 = arith.constant 0 : index
    %swap3A_621 = arith.constant 0 : index
    %swap3A_622 = vector.load %arg9[%swap3A_619, %swap3A_620, %swap3A_621] : memref<32x200x128xf32, #tpu.memory_space<vmem>>, vector<1x200x128xf32>
    %swap3A_623 = vector.shape_cast %swap3A_622 : vector<1x200x128xf32> to vector<200x128xf32>
    %swap3A_624 = vector.shape_cast %add3A_618 : vector<200x128xf32> to vector<1x200x128xf32>
    tpu.vector_store %arg9[%swap3A_619, %swap3A_620, %swap3A_621], %swap3A_624 {strides = array<i32>} : memref<32x200x128xf32, #tpu.memory_space<vmem>>, vector<1x200x128xf32>,
    %slice3A_625 = vector.extract_strided_slice %dot_general3A_11 {offsets = [0, 3456], sizes = [200, 128], strides = [1, 1]} : vector<200x4096xf32> to vector<200x128xf32>
    %eq3A_626 = arith.cmpf oeq, %slice3A_625, %get3A_14 : vector<200x128xf32>
    %convert_element_type3A_627 = arith.extui %eq3A_626 : vector<200x128xi1> to vector<200x128xi32>
    %convert_element_type3A_628 = arith.sitofp %convert_element_type3A_627 : vector<200x128xi32> to vector<200x128xf32>
    %dot_general3A_629 = arith.constant dense<0.000000e+00> : vector<200x128xf32>
    %dot_general3A_630 = tpu.matmul %convert_element_type3A_628, %get3A_33, %dot_general3A_629 {dimension_numbers = #tpu.dot_dimension_numbers<[1], [0], [0], [1], [0, 0, 1, 1], [], []>, transpose_lhs_hint = false} : vector<200x128xf32>, vector<128x128xf32>, vector<200x128xf32> -> vector<200x128xf32>
    %slice3A_631 = vector.extract_strided_slice %dot_general3A_27 {offsets = [2200, 0], sizes = [200, 128], strides = [1, 1]} : vector<3200x128xf32> to vector<200x128xf32>
    %slice3A_632 = vector.extract_strided_slice %dot_general3A_11 {offsets = [0, 3456], sizes = [200, 128], strides = [1, 1]} : vector<200x4096xf32> to vector<200x128xf32>
    %eq3A_633 = arith.constant 1.200000e+02 : f32
    %eq3A_634 = vector.broadcast %eq3A_633 : f32 to vector<200x128xf32>
    %eq3A_635 = arith.cmpf oeq, %slice3A_632, %eq3A_634 : vector<200x128xf32>
    %add3A_636 = arith.addf %dot_general3A_630, %get3A_30 : vector<200x128xf32>
    %jit3A_637 = arith.constant 0.000000e+00 : f32
    %broadcast_in_dim3A_638 = vector.broadcast %jit3A_637 : f32 to vector<200x128xf32>
    %select_n3A_639 = arith.select %eq3A_635, %slice3A_631, %broadcast_in_dim3A_638 : vector<200x128xi1>, vector<200x128xf32>
    %add3A_640 = arith.addf %add3A_636, %select_n3A_639 : vector<200x128xf32>
    %swap3A_641 = arith.constant 27 : index
    %swap3A_642 = arith.constant 0 : index
    %swap3A_643 = arith.constant 0 : index
    %swap3A_644 = vector.load %arg9[%swap3A_641, %swap3A_642, %swap3A_643] : memref<32x200x128xf32, #tpu.memory_space<vmem>>, vector<1x200x128xf32>
    %swap3A_645 = vector.shape_cast %swap3A_644 : vector<1x200x128xf32> to vector<200x128xf32>
    %swap3A_646 = vector.shape_cast %add3A_640 : vector<200x128xf32> to vector<1x200x128xf32>
    tpu.vector_store %arg9[%swap3A_641, %swap3A_642, %swap3A_643], %swap3A_646 {strides = array<i32>} : memref<32x200x128xf32, #tpu.memory_space<vmem>>, vector<1x200x128xf32>,
    %slice3A_647 = vector.extract_strided_slice %dot_general3A_11 {offsets = [0, 3584], sizes = [200, 128], strides = [1, 1]} : vector<200x4096xf32> to vector<200x128xf32>
    %eq3A_648 = arith.cmpf oeq, %slice3A_647, %get3A_14 : vector<200x128xf32>
    %convert_element_type3A_649 = arith.extui %eq3A_648 : vector<200x128xi1> to vector<200x128xi32>
    %convert_element_type3A_650 = arith.sitofp %convert_element_type3A_649 : vector<200x128xi32> to vector<200x128xf32>
    %dot_general3A_651 = arith.constant dense<0.000000e+00> : vector<200x128xf32>
    %dot_general3A_652 = tpu.matmul %convert_element_type3A_650, %get3A_33, %dot_general3A_651 {dimension_numbers = #tpu.dot_dimension_numbers<[1], [0], [0], [1], [0, 0, 1, 1], [], []>, transpose_lhs_hint = false} : vector<200x128xf32>, vector<128x128xf32>, vector<200x128xf32> -> vector<200x128xf32>
    %slice3A_653 = vector.extract_strided_slice %dot_general3A_27 {offsets = [2400, 0], sizes = [200, 128], strides = [1, 1]} : vector<3200x128xf32> to vector<200x128xf32>
    %slice3A_654 = vector.extract_strided_slice %dot_general3A_11 {offsets = [0, 3584], sizes = [200, 128], strides = [1, 1]} : vector<200x4096xf32> to vector<200x128xf32>
    %eq3A_655 = arith.constant 1.200000e+02 : f32
    %eq3A_656 = vector.broadcast %eq3A_655 : f32 to vector<200x128xf32>
    %eq3A_657 = arith.cmpf oeq, %slice3A_654, %eq3A_656 : vector<200x128xf32>
    %add3A_658 = arith.addf %dot_general3A_652, %get3A_30 : vector<200x128xf32>
    %jit3A_659 = arith.constant 0.000000e+00 : f32
    %broadcast_in_dim3A_660 = vector.broadcast %jit3A_659 : f32 to vector<200x128xf32>
    %select_n3A_661 = arith.select %eq3A_657, %slice3A_653, %broadcast_in_dim3A_660 : vector<200x128xi1>, vector<200x128xf32>
    %add3A_662 = arith.addf %add3A_658, %select_n3A_661 : vector<200x128xf32>
    %swap3A_663 = arith.constant 28 : index
    %swap3A_664 = arith.constant 0 : index
    %swap3A_665 = arith.constant 0 : index
    %swap3A_666 = vector.load %arg9[%swap3A_663, %swap3A_664, %swap3A_665] : memref<32x200x128xf32, #tpu.memory_space<vmem>>, vector<1x200x128xf32>
    %swap3A_667 = vector.shape_cast %swap3A_666 : vector<1x200x128xf32> to vector<200x128xf32>
    %swap3A_668 = vector.shape_cast %add3A_662 : vector<200x128xf32> to vector<1x200x128xf32>
    tpu.vector_store %arg9[%swap3A_663, %swap3A_664, %swap3A_665], %swap3A_668 {strides = array<i32>} : memref<32x200x128xf32, #tpu.memory_space<vmem>>, vector<1x200x128xf32>,
    %slice3A_669 = vector.extract_strided_slice %dot_general3A_11 {offsets = [0, 3712], sizes = [200, 128], strides = [1, 1]} : vector<200x4096xf32> to vector<200x128xf32>
    %eq3A_670 = arith.cmpf oeq, %slice3A_669, %get3A_14 : vector<200x128xf32>
    %convert_element_type3A_671 = arith.extui %eq3A_670 : vector<200x128xi1> to vector<200x128xi32>
    %convert_element_type3A_672 = arith.sitofp %convert_element_type3A_671 : vector<200x128xi32> to vector<200x128xf32>
    %dot_general3A_673 = arith.constant dense<0.000000e+00> : vector<200x128xf32>
    %dot_general3A_674 = tpu.matmul %convert_element_type3A_672, %get3A_33, %dot_general3A_673 {dimension_numbers = #tpu.dot_dimension_numbers<[1], [0], [0], [1], [0, 0, 1, 1], [], []>, transpose_lhs_hint = false} : vector<200x128xf32>, vector<128x128xf32>, vector<200x128xf32> -> vector<200x128xf32>
    %slice3A_675 = vector.extract_strided_slice %dot_general3A_27 {offsets = [2600, 0], sizes = [200, 128], strides = [1, 1]} : vector<3200x128xf32> to vector<200x128xf32>
    %slice3A_676 = vector.extract_strided_slice %dot_general3A_11 {offsets = [0, 3712], sizes = [200, 128], strides = [1, 1]} : vector<200x4096xf32> to vector<200x128xf32>
    %eq3A_677 = arith.constant 1.200000e+02 : f32
    %eq3A_678 = vector.broadcast %eq3A_677 : f32 to vector<200x128xf32>
    %eq3A_679 = arith.cmpf oeq, %slice3A_676, %eq3A_678 : vector<200x128xf32>
    %add3A_680 = arith.addf %dot_general3A_674, %get3A_30 : vector<200x128xf32>
    %jit3A_681 = arith.constant 0.000000e+00 : f32
    %broadcast_in_dim3A_682 = vector.broadcast %jit3A_681 : f32 to vector<200x128xf32>
    %select_n3A_683 = arith.select %eq3A_679, %slice3A_675, %broadcast_in_dim3A_682 : vector<200x128xi1>, vector<200x128xf32>
    %add3A_684 = arith.addf %add3A_680, %select_n3A_683 : vector<200x128xf32>
    %swap3A_685 = arith.constant 29 : index
    %swap3A_686 = arith.constant 0 : index
    %swap3A_687 = arith.constant 0 : index
    %swap3A_688 = vector.load %arg9[%swap3A_685, %swap3A_686, %swap3A_687] : memref<32x200x128xf32, #tpu.memory_space<vmem>>, vector<1x200x128xf32>
    %swap3A_689 = vector.shape_cast %swap3A_688 : vector<1x200x128xf32> to vector<200x128xf32>
    %swap3A_690 = vector.shape_cast %add3A_684 : vector<200x128xf32> to vector<1x200x128xf32>
    tpu.vector_store %arg9[%swap3A_685, %swap3A_686, %swap3A_687], %swap3A_690 {strides = array<i32>} : memref<32x200x128xf32, #tpu.memory_space<vmem>>, vector<1x200x128xf32>,
    %slice3A_691 = vector.extract_strided_slice %dot_general3A_11 {offsets = [0, 3840], sizes = [200, 128], strides = [1, 1]} : vector<200x4096xf32> to vector<200x128xf32>
    %eq3A_692 = arith.cmpf oeq, %slice3A_691, %get3A_14 : vector<200x128xf32>
    %convert_element_type3A_693 = arith.extui %eq3A_692 : vector<200x128xi1> to vector<200x128xi32>
    %convert_element_type3A_694 = arith.sitofp %convert_element_type3A_693 : vector<200x128xi32> to vector<200x128xf32>
    %dot_general3A_695 = arith.constant dense<0.000000e+00> : vector<200x128xf32>
    %dot_general3A_696 = tpu.matmul %convert_element_type3A_694, %get3A_33, %dot_general3A_695 {dimension_numbers = #tpu.dot_dimension_numbers<[1], [0], [0], [1], [0, 0, 1, 1], [], []>, transpose_lhs_hint = false} : vector<200x128xf32>, vector<128x128xf32>, vector<200x128xf32> -> vector<200x128xf32>
    %slice3A_697 = vector.extract_strided_slice %dot_general3A_27 {offsets = [2800, 0], sizes = [200, 128], strides = [1, 1]} : vector<3200x128xf32> to vector<200x128xf32>
    %slice3A_698 = vector.extract_strided_slice %dot_general3A_11 {offsets = [0, 3840], sizes = [200, 128], strides = [1, 1]} : vector<200x4096xf32> to vector<200x128xf32>
    %eq3A_699 = arith.constant 1.200000e+02 : f32
    %eq3A_700 = vector.broadcast %eq3A_699 : f32 to vector<200x128xf32>
    %eq3A_701 = arith.cmpf oeq, %slice3A_698, %eq3A_700 : vector<200x128xf32>
    %add3A_702 = arith.addf %dot_general3A_696, %get3A_30 : vector<200x128xf32>
    %jit3A_703 = arith.constant 0.000000e+00 : f32
    %broadcast_in_dim3A_704 = vector.broadcast %jit3A_703 : f32 to vector<200x128xf32>
    %select_n3A_705 = arith.select %eq3A_701, %slice3A_697, %broadcast_in_dim3A_704 : vector<200x128xi1>, vector<200x128xf32>
    %add3A_706 = arith.addf %add3A_702, %select_n3A_705 : vector<200x128xf32>
    %swap3A_707 = arith.constant 30 : index
    %swap3A_708 = arith.constant 0 : index
    %swap3A_709 = arith.constant 0 : index
    %swap3A_710 = vector.load %arg9[%swap3A_707, %swap3A_708, %swap3A_709] : memref<32x200x128xf32, #tpu.memory_space<vmem>>, vector<1x200x128xf32>
    %swap3A_711 = vector.shape_cast %swap3A_710 : vector<1x200x128xf32> to vector<200x128xf32>
    %swap3A_712 = vector.shape_cast %add3A_706 : vector<200x128xf32> to vector<1x200x128xf32>
    tpu.vector_store %arg9[%swap3A_707, %swap3A_708, %swap3A_709], %swap3A_712 {strides = array<i32>} : memref<32x200x128xf32, #tpu.memory_space<vmem>>, vector<1x200x128xf32>,
    %slice3A_713 = vector.extract_strided_slice %dot_general3A_11 {offsets = [0, 3968], sizes = [200, 128], strides = [1, 1]} : vector<200x4096xf32> to vector<200x128xf32>
    %eq3A_714 = arith.cmpf oeq, %slice3A_713, %get3A_14 : vector<200x128xf32>
    %convert_element_type3A_715 = arith.extui %eq3A_714 : vector<200x128xi1> to vector<200x128xi32>
    %convert_element_type3A_716 = arith.sitofp %convert_element_type3A_715 : vector<200x128xi32> to vector<200x128xf32>
    %dot_general3A_717 = arith.constant dense<0.000000e+00> : vector<200x128xf32>
    %dot_general3A_718 = tpu.matmul %convert_element_type3A_716, %get3A_33, %dot_general3A_717 {dimension_numbers = #tpu.dot_dimension_numbers<[1], [0], [0], [1], [0, 0, 1, 1], [], []>, transpose_lhs_hint = false} : vector<200x128xf32>, vector<128x128xf32>, vector<200x128xf32> -> vector<200x128xf32>
    %slice3A_719 = vector.extract_strided_slice %dot_general3A_27 {offsets = [3000, 0], sizes = [200, 128], strides = [1, 1]} : vector<3200x128xf32> to vector<200x128xf32>
    %slice3A_720 = vector.extract_strided_slice %dot_general3A_11 {offsets = [0, 3968], sizes = [200, 128], strides = [1, 1]} : vector<200x4096xf32> to vector<200x128xf32>
    %eq3A_721 = arith.constant 1.200000e+02 : f32
    %eq3A_722 = vector.broadcast %eq3A_721 : f32 to vector<200x128xf32>
    %eq3A_723 = arith.cmpf oeq, %slice3A_720, %eq3A_722 : vector<200x128xf32>
    %add3A_724 = arith.addf %dot_general3A_718, %get3A_30 : vector<200x128xf32>
    %jit3A_725 = arith.constant 0.000000e+00 : f32
    %broadcast_in_dim3A_726 = vector.broadcast %jit3A_725 : f32 to vector<200x128xf32>
    %select_n3A_727 = arith.select %eq3A_723, %slice3A_719, %broadcast_in_dim3A_726 : vector<200x128xi1>, vector<200x128xf32>
    %add3A_728 = arith.addf %add3A_724, %select_n3A_727 : vector<200x128xf32>
    %swap3A_729 = arith.constant 31 : index
    %swap3A_730 = arith.constant 0 : index
    %swap3A_731 = arith.constant 0 : index
    %swap3A_732 = vector.load %arg9[%swap3A_729, %swap3A_730, %swap3A_731] : memref<32x200x128xf32, #tpu.memory_space<vmem>>, vector<1x200x128xf32>
    %swap3A_733 = vector.shape_cast %swap3A_732 : vector<1x200x128xf32> to vector<200x128xf32>
    %swap3A_734 = vector.shape_cast %add3A_728 : vector<200x128xf32> to vector<1x200x128xf32>
    tpu.vector_store %arg9[%swap3A_729, %swap3A_730, %swap3A_731], %swap3A_734 {strides = array<i32>} : memref<32x200x128xf32, #tpu.memory_space<vmem>>, vector<1x200x128xf32>,
    return
  }
  func.func @transform_0(%arg0: i32) -> (i32, i32) {
    %c0_i32 = arith.constant 0 : i32
    %c0_i32_0 = arith.constant 0 : i32
    return %arg0, %c0_i32 : i32, i32
  }
  func.func @transform_1(%arg0: i32) -> (i32, i32) {
    %c0_i32 = arith.constant 0 : i32
    %c0_i32_0 = arith.constant 0 : i32
    return %arg0, %c0_i32 : i32, i32
  }
  func.func @transform_2(%arg0: i32) -> (i32, i32) {
    %c0_i32 = arith.constant 0 : i32
    %c0_i32_0 = arith.constant 0 : i32
    %c0_i32_1 = arith.constant 0 : i32
    return %c0_i32, %c0_i32_0 : i32, i32
  }
  func.func @transform_3(%arg0: i32) -> (i32, i32) {
    %c0_i32 = arith.constant 0 : i32
    %c0_i32_0 = arith.constant 0 : i32
    %c0_i32_1 = arith.constant 0 : i32
    return %c0_i32, %c0_i32_0 : i32, i32
  }
  func.func @transform_4(%arg0: i32) -> (i32, i32) {
    %c0_i32 = arith.constant 0 : i32
    %c0_i32_0 = arith.constant 0 : i32
    %c0_i32_1 = arith.constant 0 : i32
    return %c0_i32, %c0_i32_0 : i32, i32
  }
  func.func @transform_5(%arg0: i32) -> (i32, i32) {
    %c0_i32 = arith.constant 0 : i32
    %c0_i32_0 = arith.constant 0 : i32
    %c0_i32_1 = arith.constant 0 : i32
    return %c0_i32, %c0_i32_0 : i32, i32
  }
  func.func @transform_6(%arg0: i32) -> (i32, i32) {
    %c0_i32 = arith.constant 0 : i32
    %c0_i32_0 = arith.constant 0 : i32
    %c0_i32_1 = arith.constant 0 : i32
    return %c0_i32, %c0_i32_0 : i32, i32
  }
  func.func @transform_7(%arg0: i32) -> (i32, i32) {
    %c0_i32 = arith.constant 0 : i32
    %c0_i32_0 = arith.constant 0 : i32
    %c0_i32_1 = arith.constant 0 : i32
    return %c0_i32, %c0_i32_0 : i32, i32
  }
  func.func @transform_8(%arg0: i32) -> (i32, i32, i32) {
    %c0_i32 = arith.constant 0 : i32
    %c0_i32_0 = arith.constant 0 : i32
    %c0_i32_1 = arith.constant 0 : i32
    return %arg0, %c0_i32, %c0_i32_0 : i32, i32, i32
  }
  func.func @transform_9(%arg0: i32) -> (i32, i32) {
    %c0_i32 = arith.constant 0 : i32
    %c0_i32_0 = arith.constant 0 : i32
    return %arg0, %c0_i32 : i32, i32
  }
}

</mosaic_0001>

<sc_bundles>
// kernel: kernel.4.cloned.1.call-start
scs
__scs_entry_jumppad:
0x0: {  	(pc) =	sbr.rel $0x88, $3  }
0x1: {  	(tag) =	ssettag $0x0;
	lr =	simm.s32 $0x1  }
0x2: {  	[smem:$0x3F99] =	sst lr;
	_ =	strace $0xD0000000  }
0x3: {  	_ = 	snop  }
0x4: {  	_ = 	snop  }
0x5: {  	_ = 	snop  }
0x6: {  	_ = 	snop  }
0x7: {  	_ = 	snop  }
__scs_overlays_trampoline_lowered:
0x8: {  	[smem:$0x3FA8] =	sst s0  }
0x9: {  	[smem:$0x3FA9] =	sst s1  }
0xa: {  	[smem:$0x3FAA] =	sst s2  }
0xb: {  	[smem:$0x3FAB] =	sst s3  }
0xc: {  	[smem:$0x3FAC] =	sst s4  }
0xd: {  	[smem:$0x3FAD] =	sst s5  }
0xe: {  	[smem:$0x3FAE] =	sst s6  }
0xf: {  	[smem:$0x3FAF] =	sst s7  }
0x10: {  	[smem:$0x3FB0] =	sst s8  }
0x11: {  	[smem:$0x3FB1] =	sst s9;
	s0 =	simm.s32 @!p0 $0x0  }
0x12: {  	s1 =	sld [smem:$0x3F97];
	s0 =	simm.s32 @p0 $0x1  }
0x13: {  	[smem:$0x3FB2] =	sst s0;
	s0 =	simm.s32 @!p1 $0x0  }
0x14: {  	s2 =	sld [smem:$0x3F96];
	s0 =	simm.s32 @p1 $0x1  }
0x15: {  	[smem:$0x3FB3] =	sst s0;
	s0 =	simm.s32 @!p2 $0x0  }
0x16: {  	s3 =	sld [smem:$0x3FDB];
	s0 =	simm.s32 @p2 $0x1  }
0x17: {  	s4 =	simm.s32 $0x1BF5;
	[smem:$0x3FB5] =	sst s0  }
0x18: {  	s0 =	sld [smem:$0x3F98];
	_ =	swait.ge [sflag:s4], $0x0  }
0x19: {  	s7 =	sld [smem:$0x3F99]  }
0x1a: {  	s8 =	sadd.s32 $0xFFFFE003, lr  }
0x1b: {  	s9 =	sadd.s32 $0xFFFFFEF7, lr;
	s5 =	simm.s32 $0xFFFFFFFF;
	p2 =	slt.u32 s8, $0xFFFFF086  }
0x1c: {  	p1 =	slt.u32 s9, $0xF7A;
	s5 =	simm.s32 @!p2 $0x0  }
0x1d: {  	s5 =	simm.s32 @p1 $0x1;
	p0 =	seq.s32 s7, s2  }
0x1e: {  	s7 =	smul.u32 @!p0 $0xF7A, s2;
	p2 =	seq.s32 @!p0 s5, $0x0  }
0x1f: {  	s9 =	smul.u32 $0xF7A, s1;
	s8 =	simm.s32 @!p0 $0x1BF5;
	p2 =	por !p2, p0  }
0x20: {  	[sflag:s8] =	ssyncset.s32 @!p0 $0xFFFFF086;
	s6 =	sadd.s32 @!p0 s3, s7;
	s7 =	simm.s32 @!p0 $0x108  }
0x21: {  	s3 =	sadd.s32 s3, s9;
	s6 =	sadd.s32 @!p0 $0x88, s6;
	s7 =	simm.s32 @p2 $0x1082  }
0x22: {  	[simem:s7], [sflag:s8] =	dma.local @!p0 [hbm:s6], $0xF7A  }
0x23: {  	s9 =	sor.u32 $0xD0000000, s2;
	s6 =	simm.s32 $0x108;
	_ =	swait.ge @!p0 [sflag:s8], $0x0  }
0x24: {  	s3 =	sadd.s32 $0x88, s3;
	s6 =	simm.s32 @!p1 $0x1082;
	[sflag:s4] =	ssyncset.s32 $0xFFFFF086  }
0x25: {  	[simem:s6], [sflag:s4] =	dma.local [hbm:s3], $0xF7A  }
0x26: {  	[smem:$0x3F99] =	sst s1;
	(tag) =	ssettag s2;
	_ =	strace s9  }
0x27: {  	s1 =	sld [smem:$0x3FA9]  }
0x28: {  	s2 =	sld [smem:$0x3FAA]  }
0x29: {  	s4 =	sld [smem:$0x3FAC]  }
0x2a: {  	p0 =	seq.s32 s5, $0x0;
	s5 =	sld [smem:$0x3FAD]  }
0x2b: {  	s6 =	sld [smem:$0x3FAE]  }
0x2c: {  	s7 =	sld [smem:$0x3FAF]  }
0x2d: {  	s3 =	simm.s32 $0x108;
	s8 =	sld [smem:$0x3FB0]  }
0x2e: {  	s3 =	simm.s32 @!p0 $0x1082;
	s9 =	sld [smem:$0x3FB1]  }
0x2f: {  	lr =	sadd.s32 s0, s3;
	s0 =	sld [smem:$0x3FA8]  }
0x30: {  	s3 =	sld [smem:$0x3FAB]  }
0x31: {  	[smem:$0x3FB4] =	sst s10  }
0x32: {  	s10 =	sld [smem:$0x3FB2];
	_ =	sdelay $0x3  }
0x33: {  	p0 =	seq.s32 s10, $0x1;
	s10 =	sld [smem:$0x3FB4];
	_ =	sdelay $0x3  }
0x34: {  	[smem:$0x3FB4] =	sst s10  }
0x35: {  	s10 =	sld [smem:$0x3FB3];
	_ =	sdelay $0x3  }
0x36: {  	p1 =	seq.s32 s10, $0x1;
	s10 =	sld [smem:$0x3FB4];
	_ =	sdelay $0x3  }
0x37: {  	[smem:$0x3FB4] =	sst s10  }
0x38: {  	s10 =	sld [smem:$0x3FB5]  }
0x39: {  	_ = 	snop;
	(pc) =	sbr.ind lr, $3  }
0x3a: {  	_ = 	snop  }
0x3b: {  	_ = 	snop  }
0x3c: {  	p2 =	seq.s32 s10, $0x1;
	s10 =	sld [smem:$0x3FB4]  }
0x3d: {  	_ =	shalt  }
0x3e: {  	_ =	shalt  }
0x3f: {  	_ =	shalt  }
0x40: {  	_ =	shalt  }
0x41: {  	_ =	shalt  }
0x42: {  	_ =	shalt  }
0x43: {  	_ =	shalt  }
0x44: {  	_ =	shalt  }
0x45: {  	_ =	shalt  }
0x46: {  	_ =	shalt  }
0x47: {  	_ =	shalt  }
0x48: {  	_ =	shalt  }
0x49: {  	_ =	shalt  }
0x4a: {  	_ =	shalt  }
0x4b: {  	_ =	shalt  }
0x4c: {  	_ =	shalt  }
0x4d: {  	_ =	shalt  }
0x4e: {  	_ =	shalt  }
0x4f: {  	_ =	shalt  }
0x50: {  	_ =	shalt  }
0x51: {  	_ =	shalt  }
0x52: {  	_ =	shalt  }
0x53: {  	_ =	shalt  }
0x54: {  	_ =	shalt  }
0x55: {  	_ =	shalt  }
0x56: {  	_ =	shalt  }
0x57: {  	_ =	shalt  }
0x58: {  	_ =	shalt  }
0x59: {  	_ =	shalt  }
0x5a: {  	_ =	shalt  }
0x5b: {  	_ =	shalt  }
0x5c: {  	_ =	shalt  }
0x5d: {  	_ =	shalt  }
0x5e: {  	_ =	shalt  }
0x5f: {  	_ =	shalt  }
0x60: {  	_ =	shalt  }
0x61: {  	_ =	shalt  }
0x62: {  	_ =	shalt  }
0x63: {  	_ =	shalt  }
0x64: {  	_ =	shalt  }
0x65: {  	_ =	shalt  }
0x66: {  	_ =	shalt  }
0x67: {  	_ =	shalt  }
0x68: {  	_ =	shalt  }
0x69: {  	_ =	shalt  }
0x6a: {  	_ =	shalt  }
0x6b: {  	_ =	shalt  }
0x6c: {  	_ =	shalt  }
0x6d: {  	_ =	shalt  }
0x6e: {  	_ =	shalt  }
0x6f: {  	_ =	shalt  }
0x70: {  	_ =	shalt  }
0x71: {  	_ =	shalt  }
0x72: {  	_ =	shalt  }
0x73: {  	_ =	shalt  }
0x74: {  	_ =	shalt  }
0x75: {  	_ =	shalt  }
0x76: {  	_ =	shalt  }
0x77: {  	_ =	shalt  }
0x78: {  	_ =	shalt  }
0x79: {  	_ =	shalt  }
0x7a: {  	_ =	shalt  }
0x7b: {  	_ =	shalt  }
0x7c: {  	_ =	shalt  }
0x7d: {  	_ =	shalt  }
0x7e: {  	_ =	shalt  }
0x7f: {  	_ =	shalt  }
0x80: {  	_ =	shalt  }
0x81: {  	_ =	shalt  }
0x82: {  	_ =	shalt  }
0x83: {  	_ =	shalt  }
0x84: {  	_ =	shalt  }
0x85: {  	_ =	shalt  }
0x86: {  	_ =	shalt  }
0x87: {  	_ =	shalt  }
.Lfunc_end0:
.L_simem_size_0:
called_computation_lowered:
.L_overlay_start_0:
0x88: {  	s2 =	sld [smem:$0x3FD9]  }
0x89: {  	s3 =	sld [smem:$0x3FFE];
	_ =	sdelay $0x1  }
0x8a: {  	s1 =	srdreg.scid  }
0x8b: {  	s0 =	sand.u32 $0x1, s1  }
0x8c: {  	s14 =	sshll.u32 s0, $0xA;
	s2 =	sadd.s32 s3, s2  }
0x8d: {  	s2 =	sadd.s32 s2, s14  }
0x8e: {  	[smem:$0x3FC0] =	sst s2  }
0x8f: {  	_ = 	snop  }
0x90: {  	s2 =	sld [smem:$0x3FD0];
	_ =	sdelay $0x2  }
0x91: {  	s15 =	simm.s32 $0xA;
	s4 =	simm.s32 $0x10  }
0x92: {  	[smem:s4], [sflag:s15] =	dma.local [hbm:s2], $0x1  }
0x93: {  	_ =	swait.eq [sflag:s15], $0x1  }
0x94: {  	[sflag:s15] =	ssyncset.done $0x0  }
0x95: {  	s16 =	sld [smem:$0x10];
	[sflag:s15] =	ssyncadd.s32 $0xFFFFFFFF  }
0x96: {  	s17 =	sld [smem:$0x11];
	(tm) =	ssettm $0x1  }
0x97: {  	s18 =	sld [smem:$0x3FFB];
	_ =	sdelay $0x3  }
0x98: {  	_ =	strace s18  }
0x99: {  	s4 =	sld [smem:$0x3FFC];
	_ =	sdelay $0x3  }
0x9a: {  	_ =	strace s4  }
0x9b: {  	s4 =	sld [smem:$0x3FFD];
	_ =	sdelay $0x3  }
0x9c: {  	_ =	strace s4  }
0x9d: {  	_ =	strace $0x8FFFFFFF  }
0x9e: {  	s19 =	sld [smem:$0x3FDB];
	_ =	sdelay $0x1  }
0x9f: {  	s5 =	simm.s32 $_scs_section_size  }
0xa0: {  	s6 =	simm.s32 $_size__tile_overlayer_lowered;
	s7 =	simm.s32 $_tile_overlayer_lowered  }
0xa1: {  	s22 =	simm.s32 $0x1BFF;
	s21 =	sshll.u32 s7, $0x1;
	s4 =	sadd.s32 s5, s19  }
0xa2: {  	s8 =	simm.s32 $0x0;
	s20 =	sshll.u32 s6, $0x1;
	s6 =	sadd.s32 s21, s4  }
0xa3: {  	[timem:s8], [sflag:s22] =	dma.local [hbm:s6], s20  }
0xa4: {  	_ =	swait.ge [sflag:s22], s20  }
0xa5: {  	s5 =	ssub.s32 $0x0, s20;
	[sflag:s22] =	ssyncset.done $0x0  }
0xa6: {  	[sflag:s22] =	ssyncadd.s32 s5;
	_ =	sdelay $0x1  }
0xa7: {  	s23 =	simm.s32 $0x1B8B  }
0xa8: {  	_ =	swait.ge [sflag:s23], $0x1  }
0xa9: {  	[sflag:s23] =	ssyncset.done $0x0  }
0xaa: {  	s25 =	simm.s32 $0x1B8E;
	s24 =	sld [smem:$0x3FFE];
	[sflag:s23] =	ssyncadd.s32 $0xFFFFFFFF  }
0xab: {  	s26 =	simm.s32 $execute0_lowered;
	[smem:$0x3FD2] =	sst s25  }
0xac: {  	s6 =	sshll.u32 s26, $0x1;
	_ =	strace $0x80000046;
	[dreg:$0x1] =	wrdreg $0xFFFFFFFF  }
0xad: {  	s28 =	simm.s32 $_size_execute0_lowered;
	s4 =	sadd.s32 s4, s6;
	[dreg:$0x0] =	wrdreg $0x0  }
0xae: {  	s6 =	sshll.u32 s28, $0x1;
	[dreg:$0x2] =	wrdreg s4  }
0xaf: {  	[dreg:$0x3] =	wrdreg s6  }
0xb0: {  	[dreg:$0x4] =	wrdreg $0xC0  }
0xb1: {  	_ =	task [dreg:s8], $0x5FFFF  }
0xb2: {  	[dreg:$0x1] =	wrdreg $0xFFFFFFFF  }
0xb3: {  	[dreg:$0x0] =	wrdreg $0x60  }
0xb4: {  	[dreg:$0x2] =	wrdreg s24  }
0xb5: {  	[dreg:$0x3] =	wrdreg s17  }
0xb6: {  	[dreg:$0x4] =	wrdreg s16  }
0xb7: {  	[dreg:$0x5] =	wrdreg $0x9  }
0xb8: {  	_ =	task.clear_ibuf [dreg:s8], $0x6FFFF;
	_ =	strace $0x90000046  }
0xb9: {  	s29 =	simm.s32 $0x9;
	_ =	strace $0x80000048  }
0xba: {  	_ =	swait.ge [sflag:s29], $0x1  }
0xbb: {  	[sflag:s29] =	ssyncadd.s32 $0xFFFFFFFF  }
0xbc: {  	_ =	strace $0x90000048  }
0xbd: {  	_ =	sfence  }
0xbe: {  	s30 =	sld [smem:$0x0];
	_ =	sdelay $0x2  }
0xbf: {  	s31 =	sshll.u32 s1, $0xD;
	s1 =	sshrl.u32 s1, $0x2  }
0xc0: {  	s3 =	sand.u32 $0x4000, s31;
	s1 =	sadd.s32 s1, s30  }
0xc1: {  	s0 =	sor.u32 s3, s0;
	s1 =	sshll.u32 s1, $0x11  }
0xc2: {  	s0 =	sor.u32 s1, s0  }
0xc3: {  	s0 =	sadd.s32 $0x8F2B, s0  }
0xc4: {  	[sflag:s0] =	ssyncadd.remote.s32 $0x1  }
0xc5: {  	_ =	sfence.sel $0xFFFF  }
0xc6: {  	[dreg:$0x0] =	wrdreg $0xFFFFFFFF;
	(pc) =	sbr.abs _section_cstart, $3  }
0xc7: {  	[dreg:$0x1] =	wrdreg $0xFFFFFFFF  }
0xc8: {  	_ =	task.clear_ibuf [dreg:s8], $0x2FFFF;
	_ =	strace $0x9FFFFFFF  }
0xc9: {  	(tm) =	ssettm $0x7FFFFFFF  }
tec
execute0_lowered:
.L_overlay_start_1:
0x0: {  	(tag) =	ssettag $0x1  }
0x1: {  	s0 =	rddreg [dreg:$0x0]  }
0x2: {  	s1 =	rddreg [dreg:$0x1];
	s3 =	srdreg.scid  }
0x3: {  	s11 =	stileid.u32;
	s2 =	rddreg [dreg:$0x2]  }
0x4: {  	s12 =	simm.s32 $0x6400;
	s13 =	simm.s32 $0xE400;
	s14 =	simm.s32 $0x8400  }
0x5: {  	s16 =	simm.s32 $0x10400;
	s18 =	simm.s32 $0xA400;
	s20 =	simm.s32 $0x12400  }
0x6: {  	s22 =	simm.s32 $0xC400;
	s28 =	simm.s32 $0x2;
	s29 =	simm.s32 $0x3  }
0x7: {  	s30 =	simm.s32 $0x4;
	s31 =	simm.s32 $0x0;
	s8 =	smul.u32 $0x320000, s11  }
0x8: {  	s6 =	sand.u32 $0x1, s3;
	s4 =	sshll.u32 s11, $0x1;
	s24 =	smul.u32 $0x64000, s11  }
0x9: {  	s3 =	simm.s32 $0x0;
	s11 =	simm.s32 $0x80;
	s10 =	smul.u32 $0x190000, s6  }
0xa: {  	s4 =	sor.u32 s6, s4;
	s7 =	ssub.s32 $0x2, s6;
	s26 =	smul.u32 $0x32000, s6  }
0xb: {  	[smem:$0x7FF] =	sst s3;
	s5 =	smul.u32 $0x640, s4;
	s9 =	sshrl.u32 s7, $0x1  }
0xc: {  	_ =	strace $0x80000047;
	s7 =	ssub.s32 s7, s9;
	s25 =	sadd.s32 s10, s8  }
.Ltmp0:
0xd: {  	s10 =	simm.s32 $0x3200;
	s4 =	sadd.s32 s5, s0;
	(pc) =	sbr.rel .LBB2_1-.Ltmp0, $4  }
0xe: {  	s0 =	sadd.s32 $0xD800, s0;
	s5 =	sadd.s32 s1, s5;
	s6 =	smax.u32 s7, $0x1  }
0xf: {  	s1 =	sshrl.u32 s25, $0x3;
	s25 =	simm.s32 $0x1;
	s4 =	sadd.s32 $0x1000, s4  }
0x10: {  	s9 =	sadd.s32 s24, s0;
	s7 =	sadd.s32 s1, s0;
	s24 =	simm.s32 $0x14400  }
0x11: {  	s8 =	sadd.s32 s26, s9;
	s9 =	simm.s32 $0x5;
	s26 =	simm.s32 $0x40  }
.LBB2_4:
0x12: {  	s31 =	sadd.s32 $0x1, s31  }
0x13: {  	p0 =	sne.s32 s31, s6  }
.Ltmp1:
0x14: {  	_ = 	snop;
	(pc) =	sbr.rel @!p0 .LBB2_5-.Ltmp1, $1  }
0x15: {  	_ =	sdelay $0x3  }
.LBB2_1:
0x16: {  	[tilespmem:s3], [sflag:$0x5] =	stream.linear.gather [hbm4b:s4+s3], $0x3200, $0x38;
	[tilespmem:$0x16400] =	vst v63  }
0x17: {  	_ =	swait.ge [sflag:s9], $0x3200  }
0x18: {  	[sflag:s9] =	ssyncset.done $0x0  }
0x19: {  	[sflag:s9] =	ssyncadd.s32 $0xFFFFCE00  }
0x1a: {  	[tilespmem:s10], [sflag:$0x5] =	stream.linear.gather [hbm4b:s5+s3], $0x3200, $0x38;
	[tilespmem:$0x16400] =	vst v63  }
0x1b: {  	_ =	swait.ge [sflag:s9], $0x3200  }
0x1c: {  	[sflag:s9] =	ssyncset.done $0x0  }
0x1d: {  	[sflag:s9] =	ssyncadd.s32 $0xFFFFCE00  }
0x1e: {  	[tilespmem:s12], [sflag:$0x1] =	stream.indirect.gather [hbm4b:s2+s11], $0x40, s3, s11, $0xb8;
	[tilespmem:$0x16400] =	vst v63  }
0x1f: {  	_ = 	snop  }
0x20: {  	[tilespmem:s13], [sflag:$0x1] =	stream.indirect.gather [hbm4b:s2+s11], $0x40, s10, s11, $0xb8;
	[tilespmem:$0x16400] =	vst v63  }
0x21: {  	_ = 	snop  }
0x22: {  	[tilespmem:s14], [sflag:$0x2] =	stream.indirect.gather [hbm4b:s2+s11], $0x40, s11, s11, $0xb8;
	[tilespmem:$0x16400] =	vst v63  }
0x23: {  	s0 =	simm.s32 $0x3280  }
0x24: {  	[tilespmem:s16], [sflag:$0x2] =	stream.indirect.gather [hbm4b:s2+s11], $0x40, s0, s11, $0xb8;
	[tilespmem:$0x16400] =	vst v63  }
0x25: {  	s17 =	simm.s32 $0x100  }
0x26: {  	[tilespmem:s18], [sflag:$0x3] =	stream.indirect.gather [hbm4b:s2+s11], $0x40, s17, s11, $0xb8;
	[tilespmem:$0x16400] =	vst v63  }
0x27: {  	s19 =	simm.s32 $0x3300  }
0x28: {  	[tilespmem:s20], [sflag:$0x3] =	stream.indirect.gather [hbm4b:s2+s11], $0x40, s19, s11, $0xb8;
	[tilespmem:$0x16400] =	vst v63  }
0x29: {  	s21 =	simm.s32 $0x180  }
0x2a: {  	[tilespmem:s22], [sflag:$0x4] =	stream.indirect.gather [hbm4b:s2+s11], $0x40, s21, s11, $0xb8;
	[tilespmem:$0x16400] =	vst v63  }
0x2b: {  	s23 =	simm.s32 $0x3380;
	s1 =	simm.s32 $0x0;
	s0 =	simm.s32 $0x0  }
0x2c: {  	[tilespmem:s24], [sflag:$0x4] =	stream.indirect.gather [hbm4b:s2+s11], $0x40, s23, s11, $0xb8;
	[tilespmem:$0x16400] =	vst v63  }
.LBB2_2:
0x2d: {  	_ =	swait.ge [sflag:s25], $0x2000  }
0x2e: {  	[sflag:s25] =	ssyncset.done $0x0  }
0x2f: {  	[sflag:s25] =	ssyncadd.s32 $0xFFFFE000  }
0x30: {  	_ =	swait.ge [sflag:s25], $0x2000  }
0x31: {  	[sflag:s25] =	ssyncset.done $0x0  }
0x32: {  	s15 =	sadd.s32 s0, s7;
	[sflag:s25] =	ssyncadd.s32 $0xFFFFE000  }
0x33: {  	[hbm4b:s15+s26] =	stream.strided.scatter [tilespmem:s12], [sflag:$0x5], $0x2000, s11, s26, $0x38;
	[tilespmem:$0x16400] =	vst v63  }
0x34: {  	_ =	swait.ge [sflag:s9], $0x2000  }
0x35: {  	[sflag:s9] =	ssyncset.done $0x0  }
0x36: {  	s15 =	sadd.s32 $0x8, s15;
	[sflag:s9] =	ssyncadd.s32 $0xFFFFE000  }
0x37: {  	[hbm4b:s15+s26] =	stream.strided.scatter [tilespmem:s13], [sflag:$0x5], $0x2000, s11, s26, $0x38;
	[tilespmem:$0x16400] =	vst v63  }
0x38: {  	p0 =	seq.s32 s0, $0x30000;
	_ =	swait.ge [sflag:s9], $0x2000  }
0x39: {  	s19 =	simm.s32 @!p0 $0x80;
	s15 =	sshra.s32 @!p0 s1, $0x2;
	[sflag:s9] =	ssyncset.done $0x0  }
0x3a: {  	s21 =	simm.s32 @!p0 $0x6400;
	s17 =	sadd.s32 @!p0 $0x200, s15;
	[sflag:s9] =	ssyncadd.s32 $0xFFFFE000  }
0x3b: {  	[tilespmem:s21], [sflag:$0x1] =	stream.indirect.gather @!p0 [hbm4b:s2+s19], $0x40, s17, s19, $0xb8;
	[tilespmem:$0x16400] =	vst v63  }
0x3c: {  	s17 =	sadd.s32 @!p0 $0x3400, s15;
	s21 =	simm.s32 @!p0 $0xE400  }
0x3d: {  	[tilespmem:s21], [sflag:$0x1] =	stream.indirect.gather @!p0 [hbm4b:s2+s19], $0x40, s17, s19, $0xb8;
	[tilespmem:$0x16400] =	vst v63  }
0x3e: {  	_ =	swait.ge [sflag:s28], $0x2000  }
0x3f: {  	[sflag:s28] =	ssyncset.done $0x0  }
0x40: {  	[sflag:s28] =	ssyncadd.s32 $0xFFFFE000  }
0x41: {  	_ =	swait.ge [sflag:s28], $0x2000  }
0x42: {  	s17 =	sadd.s32 s0, s8;
	[sflag:s28] =	ssyncset.done $0x0  }
0x43: {  	s23 =	sadd.s32 $0x800, s17;
	[sflag:s28] =	ssyncadd.s32 $0xFFFFE000  }
0x44: {  	[hbm4b:s23+s26] =	stream.strided.scatter [tilespmem:s14], [sflag:$0x5], $0x2000, s11, s26, $0x38;
	[tilespmem:$0x16400] =	vst v63  }
0x45: {  	_ =	swait.ge [sflag:s9], $0x2000  }
0x46: {  	[sflag:s9] =	ssyncset.done $0x0  }
0x47: {  	s23 =	sadd.s32 $0x808, s17;
	[sflag:s9] =	ssyncadd.s32 $0xFFFFE000  }
0x48: {  	[hbm4b:s23+s26] =	stream.strided.scatter [tilespmem:s16], [sflag:$0x5], $0x2000, s11, s26, $0x38;
	[tilespmem:$0x16400] =	vst v63  }
0x49: {  	_ =	swait.ge [sflag:s9], $0x2000  }
0x4a: {  	[sflag:s9] =	ssyncset.done $0x0  }
0x4b: {  	s21 =	sadd.s32 @!p0 $0x280, s15;
	s23 =	simm.s32 @!p0 $0x8400;
	[sflag:s9] =	ssyncadd.s32 $0xFFFFE000  }
0x4c: {  	[tilespmem:s23], [sflag:$0x2] =	stream.indirect.gather @!p0 [hbm4b:s2+s19], $0x40, s21, s19, $0xb8;
	[tilespmem:$0x16400] =	vst v63  }
0x4d: {  	s21 =	sadd.s32 @!p0 $0x3480, s15;
	s23 =	simm.s32 @!p0 $0x10400  }
0x4e: {  	[tilespmem:s23], [sflag:$0x2] =	stream.indirect.gather @!p0 [hbm4b:s2+s19], $0x40, s21, s19, $0xb8;
	[tilespmem:$0x16400] =	vst v63  }
0x4f: {  	_ =	swait.ge [sflag:s29], $0x2000  }
0x50: {  	[sflag:s29] =	ssyncset.done $0x0  }
0x51: {  	[sflag:s29] =	ssyncadd.s32 $0xFFFFE000  }
0x52: {  	_ =	swait.ge [sflag:s29], $0x2000  }
0x53: {  	[sflag:s29] =	ssyncset.done $0x0  }
0x54: {  	s23 =	sadd.s32 $0x1000, s17;
	[sflag:s29] =	ssyncadd.s32 $0xFFFFE000  }
0x55: {  	[hbm4b:s23+s26] =	stream.strided.scatter [tilespmem:s18], [sflag:$0x5], $0x2000, s11, s26, $0x38;
	[tilespmem:$0x16400] =	vst v63  }
0x56: {  	_ =	swait.ge [sflag:s9], $0x2000  }
0x57: {  	[sflag:s9] =	ssyncset.done $0x0  }
0x58: {  	s23 =	sadd.s32 $0x1008, s17;
	[sflag:s9] =	ssyncadd.s32 $0xFFFFE000  }
0x59: {  	[hbm4b:s23+s26] =	stream.strided.scatter [tilespmem:s20], [sflag:$0x5], $0x2000, s11, s26, $0x38;
	[tilespmem:$0x16400] =	vst v63  }
0x5a: {  	_ =	swait.ge [sflag:s9], $0x2000  }
0x5b: {  	[sflag:s9] =	ssyncset.done $0x0  }
0x5c: {  	s21 =	sadd.s32 @!p0 $0x300, s15;
	s23 =	simm.s32 @!p0 $0xA400;
	[sflag:s9] =	ssyncadd.s32 $0xFFFFE000  }
0x5d: {  	[tilespmem:s23], [sflag:$0x3] =	stream.indirect.gather @!p0 [hbm4b:s2+s19], $0x40, s21, s19, $0xb8;
	[tilespmem:$0x16400] =	vst v63  }
0x5e: {  	s15 =	sadd.s32 @!p0 $0x3500, s15;
	s21 =	simm.s32 @!p0 $0x12400  }
0x5f: {  	[tilespmem:s21], [sflag:$0x3] =	stream.indirect.gather @!p0 [hbm4b:s2+s19], $0x40, s15, s19, $0xb8;
	[tilespmem:$0x16400] =	vst v63  }
0x60: {  	_ =	swait.ge [sflag:s30], $0x2000  }
0x61: {  	[sflag:s30] =	ssyncset.done $0x0  }
0x62: {  	[sflag:s30] =	ssyncadd.s32 $0xFFFFE000  }
0x63: {  	_ =	swait.ge [sflag:s30], $0x2000  }
0x64: {  	[sflag:s30] =	ssyncset.done $0x0  }
0x65: {  	s21 =	sadd.s32 $0x1800, s17;
	[sflag:s30] =	ssyncadd.s32 $0xFFFFE000  }
0x66: {  	[hbm4b:s21+s26] =	stream.strided.scatter [tilespmem:s22], [sflag:$0x5], $0x2000, s11, s26, $0x38;
	[tilespmem:$0x16400] =	vst v63  }
0x67: {  	_ =	swait.ge [sflag:s9], $0x2000  }
0x68: {  	[sflag:s9] =	ssyncset.done $0x0  }
.Ltmp2:
0x69: {  	s23 =	sadd.s32 $0x1808, s17;
	[sflag:s9] =	ssyncadd.s32 $0xFFFFE000;
	(pc) =	sbr.rel @p0 .LBB2_4-.Ltmp2, $4  }
0x6a: {  	[hbm4b:s23+s26] =	stream.strided.scatter [tilespmem:s24], [sflag:$0x5], $0x2000, s11, s26, $0x38;
	[tilespmem:$0x16400] =	vst v63  }
0x6b: {  	_ =	swait.ge [sflag:s9], $0x2000  }
0x6c: {  	[sflag:s9] =	ssyncset.done $0x0  }
0x6d: {  	[sflag:s9] =	ssyncadd.s32 $0xFFFFE000  }
.Ltmp3:
0x6e: {  	s15 =	sshra.s32 s1, $0x2;
	(pc) =	sbr.rel .LBB2_2-.Ltmp3, $4  }
0x6f: {  	s17 =	sadd.s32 $0x380, s15  }
0x70: {  	[tilespmem:s22], [sflag:$0x4] =	stream.indirect.gather [hbm4b:s2+s11], $0x40, s17, s11, $0xb8;
	[tilespmem:$0x16400] =	vst v63  }
0x71: {  	s0 =	sadd.s32 $0x2000, s0;
	s1 =	sadd.s32 $0x800, s1;
	s15 =	sadd.s32 $0x3580, s15  }
0x72: {  	[tilespmem:s24], [sflag:$0x4] =	stream.indirect.gather [hbm4b:s2+s11], $0x40, s15, s11, $0xb8;
	[tilespmem:$0x16400] =	vst v63  }
.LBB2_5:
0x73: {  	_ =	sfence.sel $0x180000  }
0x74: {  	[bflag:$0x0] =	sbarrier.arrive $0xFFFF  }
0x75: {  	_ =	strace $0x90000047  }
0x76: {  	s0 =	stileid.u32;
	[bflag:$0x2] =	sbarrier.arrive $0xFFFF  }
0x77: {  	p0 =	sne.s32 s0, $0x0;
	s0 =	rddreg [dreg:$0x3]  }
0x78: {  	s0 =	sadd.s32 @!p0 $0x100000, s0  }
0x79: {  	[sflag:s0] =	ssyncadd.tile.s32 @!p0 $0x1;
	_ =	shalt  }
.Lfunc_end2:
_tile_overlayer_lowered:
.L_overlay_start_2:
0x7a: {  	(tag) =	ssettag $0x2  }
0x7b: {  	s0 =	rddreg [dreg:$0x0];
	s2 =	stileid.u32  }
0x7c: {  	s1 =	rddreg [dreg:$0x1];
	p0 =	sne.s32 s2, $0x0  }
0x7d: {  	s3 =	rddreg [dreg:$0x2];
	[bflag:$0x3] =	sbarrier.arrive $0xFFFF;
	s2 =	simm.s32 @!p0 $0x1C05  }
0x7e: {  	[timem:s3], [sflag:s2] =	dma.local @!p0 [hbm:s0], s1  }
0x7f: {  	s0 =	simm.s32 @!p0 $0x5  }
0x80: {  	_ =	swait.ge @!p0 [sflag:s0], s1  }
0x81: {  	s1 =	ssub.s32 @!p0 $0x0, s1;
	[sflag:s0] =	ssyncset.done @!p0 $0x0  }
0x82: {  	[sflag:s0] =	ssyncadd.s32 @!p0 s1  }
0x83: {  	[bflag:$0x3] =	sbarrier.arrive $0xFFFF  }
0x84: {  	_ =	shalt  }

</sc_bundles>
